<compile_context>
chip_gen: v7x
topology: tpu7x:2x2x1
jax: 0.10.2.dev20260603
libtpu: 0.0.44.dev20260713+nightly
codegen_flags: <defaults>
</compile_context>

<pallas_src>
import functools

import jax
import jax.numpy as jnp
from jax import lax
from jax.experimental import pallas as pl
from jax.experimental.pallas import tpu as pltpu
from jax.experimental.pallas import tpu_sc as plsc

EMBED = 128
MODEL = 1024
OFF_O, OFF_D, OFF_V = 128, 1152, 1664
ROWS = 1792


def _fuse_body(pt_ref, ot_ref, dt_ref, vt_ref, w_ref, b_ref, f_ref):
    hp = jax.lax.Precision.HIGHEST
    b = b_ref[...]
    f_ref[0:128, :] = (
        jnp.dot(pt_ref[...], w_ref[0:128, :], precision=hp,
                preferred_element_type=jnp.float32) + b[None, :]
    )
    f_ref[128:1152, :] = jnp.dot(ot_ref[...], w_ref[128:256, :], precision=hp,
                                 preferred_element_type=jnp.float32)
    f_ref[1152:1664, :] = jnp.dot(dt_ref[...], w_ref[256:384, :], precision=hp,
                                  preferred_element_type=jnp.float32)
    f_ref[1664:1792, :] = jnp.dot(vt_ref[...], w_ref[384:512, :], precision=hp,
                                  preferred_element_type=jnp.float32)


def _make_sc_kernel(n_tok):
    info = plsc.get_sparse_core_info()
    nc, ns = info.num_cores, info.num_subcores
    nw = nc * ns
    n_w = n_tok // nw
    C = 8
    nch = n_w // C

    mesh = plsc.VectorSubcoreMesh(core_axis_name="c", subcore_axis_name="s")

    @functools.partial(
        pl.kernel,
        mesh=mesh,
        out_type=jax.ShapeDtypeStruct((n_tok, MODEL), jnp.float32),
        scratch_types=[
            pltpu.VMEM((n_w * 4,), jnp.int32),
            pltpu.VMEM((n_w * 4,), jnp.int32),
            pltpu.VMEM((C * 4, MODEL), jnp.float32),
            pltpu.VMEM((C * 4, MODEL), jnp.float32),
            pltpu.VMEM((C, MODEL), jnp.float32),
            pltpu.VMEM((C, MODEL), jnp.float32),
            pltpu.VMEM((16,), jnp.int32),
            pltpu.SemaphoreType.DMA,
            pltpu.SemaphoreType.DMA,
            pltpu.SemaphoreType.DMA,
            pltpu.SemaphoreType.DMA,
        ],
    )
    def sc_gather(f_hbm, idx_hbm, offs_hbm, out_hbm, idxr_v, idxf_v, buf0_v,
                  buf1_v, outb0_v, outb1_v, offs_v, gsem0, gsem1, wsem0,
                  wsem1):
        wid = lax.axis_index("s") * nc + lax.axis_index("c")
        base = wid * n_w
        pltpu.sync_copy(idx_hbm.at[pl.ds(base * 4, n_w * 4)], idxr_v)
        pltpu.sync_copy(offs_hbm, offs_v)
        offs = offs_v[...]

        def prep(i, carry):
            idxf_v[pl.ds(i * 16, 16)] = idxr_v[pl.ds(i * 16, 16)] + offs
            return carry

        lax.fori_loop(0, n_w * 4 // 16, prep, 0)

        bufs = (buf0_v, buf1_v)
        outbs = (outb0_v, outb1_v)
        gsems = (gsem0, gsem1)
        wsems = (wsem0, wsem1)

        def gather_start(ch, b):
            pltpu.async_copy(
                f_hbm.at[idxf_v.at[pl.ds(ch * C * 4, C * 4)]], bufs[b],
                gsems[b])

        gather_start(0, 0)

        def chunk_pair(ch2, carry):
            ch0 = ch2 * 2
            for b in range(2):
                ch = ch0 + b
                pltpu.make_async_copy(
                    f_hbm.at[idxf_v.at[pl.ds(0, C * 4)]], bufs[b],
                    gsems[b]).wait()

                @pl.when(ch + 1 < nch)
                def _():
                    gather_start(ch + 1, 1 - b)

                @pl.when(ch >= 2)
                def _():
                    pltpu.make_async_copy(
                        outbs[b], out_hbm.at[pl.ds(base, C)], wsems[b]).wait()

                buf_v = bufs[b]
                outb_v = outbs[b]

                def col_body(j, inner):
                    s = pl.ds(j * 16, 16)
                    for t in range(C):
                        outb_v[t, s] = (
                            buf_v[4 * t, s] + buf_v[4 * t + 1, s]
                            + buf_v[4 * t + 2, s] + buf_v[4 * t + 3, s]
                        )
                    return inner

                lax.fori_loop(0, MODEL // 16, col_body, 0)
                pltpu.async_copy(
                    outb_v, out_hbm.at[pl.ds(base + ch * C, C)], wsems[b])
            return carry

        lax.fori_loop(0, nch // 2, chunk_pair, 0)
        for b in range(2):
            pltpu.make_async_copy(
                outbs[b], out_hbm.at[pl.ds(base, C)], wsems[b]).wait()

    return sc_gather


def kernel(x, pitch_table, onset_table, duration_table, velocity_table, W, b):
    bsz, seq, _ = x.shape
    n_tok = bsz * seq

    fused = pl.pallas_call(
        _fuse_body,
        out_shape=jax.ShapeDtypeStruct((ROWS, MODEL), jnp.float32),
    )(pitch_table, onset_table, duration_table, velocity_table, W, b)

    idx_flat = x.reshape(-1).astype(jnp.int32)
    offs = jnp.array([0, OFF_O, OFF_D, OFF_V] * 4, dtype=jnp.int32)
    out = _make_sc_kernel(n_tok)(fused, idx_flat, offs)
    return out.reshape(bsz, seq, MODEL)

# --- scband reference (transcript-rebuilt; emitter-appended) ---
"""Pipeline reference for scband-midi-decoder-embedding-31447750541588 (READ-ONLY COPY).

The authoritative reference and input builder live on the scoring server;
editing this copy changes nothing except your own understanding.
"""

import jax, jax.numpy as jnp
import numpy as np

PITCH_V, ONSET_V, DUR_V, VEL_V = 128, 1024, 512, 128
EMBED_DIM, MODEL_DIM = 128, 1024
B, S = 4, 2048

def setup_inputs(seed: int = 0) -> dict:
    key = jax.random.key(seed)
    ks = jax.random.split(key, 7)
    x = jax.random.randint(ks[0], (B, S, 4), 0, 128, dtype=jnp.int64)
    pitch_table = jax.random.normal(ks[1], (PITCH_V, EMBED_DIM), dtype=jnp.float32)
    onset_table = jax.random.normal(ks[2], (ONSET_V, EMBED_DIM), dtype=jnp.float32)
    duration_table = jax.random.normal(ks[3], (DUR_V, EMBED_DIM), dtype=jnp.float32)
    velocity_table = jax.random.normal(ks[4], (VEL_V, EMBED_DIM), dtype=jnp.float32)
    W = jax.random.normal(ks[5], (EMBED_DIM * 4, MODEL_DIM), dtype=jnp.float32) * (1.0 / np.sqrt(EMBED_DIM * 4))
    b = jax.random.normal(ks[6], (MODEL_DIM,), dtype=jnp.float32) * 0.01
    return {"x": x, "pitch_table": pitch_table, "onset_table": onset_table, "duration_table": duration_table, "velocity_table": velocity_table, "W": W, "b": b}

def reference(x, pitch_table, onset_table, duration_table, velocity_table, W, b):
    pitch = jnp.take(pitch_table, x[..., 0], axis=0)
    onset = jnp.take(onset_table, x[..., 1], axis=0)
    duration = jnp.take(duration_table, x[..., 2], axis=0)
    velocity = jnp.take(velocity_table, x[..., 3], axis=0)
    emb = jnp.concatenate([pitch, onset, duration, velocity], axis=-1)
    return jnp.dot(emb, W) + b

if __name__ == "__main__":
    import jax
    _d = setup_inputs()
    print(jax.jit(kernel)(*tuple(_d.values())))

</pallas_src>

<mosaic_0001>
#map = affine_map<(d0, d1) -> (0, 0)>
#map1 = affine_map<(d0, d1) -> (0)>
module attributes {stable_mosaic.version = 14 : i64} {
  func.func @sc_gather(%arg0: i32, %arg1: i32, %arg2: memref<1792x1024xf32, #tpu.memory_space<hbm>>, %arg3: memref<32768xi32, #tpu.memory_space<hbm>>, %arg4: memref<16xi32, #tpu.memory_space<hbm>>, %arg5: memref<8192x1024xf32, #tpu.memory_space<hbm>>, %arg6: memref<1024xi32, #tpu.memory_space<vmem>>, %arg7: memref<1024xi32, #tpu.memory_space<vmem>>, %arg8: memref<32x1024xf32, #tpu.memory_space<vmem>>, %arg9: memref<32x1024xf32, #tpu.memory_space<vmem>>, %arg10: memref<8x1024xf32, #tpu.memory_space<vmem>>, %arg11: memref<8x1024xf32, #tpu.memory_space<vmem>>, %arg12: memref<16xi32, #tpu.memory_space<vmem>>, %arg13: memref<!tpu.dma_semaphore, #tpu.memory_space<semaphore_mem>>, %arg14: memref<!tpu.dma_semaphore, #tpu.memory_space<semaphore_mem>>, %arg15: memref<!tpu.dma_semaphore, #tpu.memory_space<semaphore_mem>>, %arg16: memref<!tpu.dma_semaphore, #tpu.memory_space<semaphore_mem>>) attributes {dimension_semantics = [#tpu.dimension_semantics<core_parallel>, #tpu.dimension_semantics<subcore_parallel>], iteration_bounds = array<i64: 2, 16>, scalar_prefetch = 0 : i64, scratch_operands = 11 : i64, tpu.core_type = #tpu.core_type<sc_vector_subcore>, window_params = [{transform_indices = #map}, {transform_indices = #map1}, {transform_indices = #map1}, {transform_indices = #map}]} {
    %mul3A = arith.constant 2 : i32
    %mul3A_0 = arith.muli %arg1, %mul3A : i32
    %add3A = arith.addi %mul3A_0, %arg0 : i32
    %mul3A_1 = arith.constant 256 : i32
    %mul3A_2 = arith.muli %add3A, %mul3A_1 : i32
    %mul3A_3 = arith.constant 4 : i32
    %mul3A_4 = arith.muli %mul3A_2, %mul3A_3 : i32
    "tpu.region"() ({
      %run_scoped3A = tpu.sem_alloc : memref<!tpu.dma_semaphore, #tpu.memory_space<semaphore_mem>>
      %dma_start3A_29 = tpu.memref_slice %arg3[%mul3A_4] : memref<32768xi32, #tpu.memory_space<hbm>> -> memref<1024xi32, #tpu.memory_space<hbm>>
      %dma_start3A_30 = tpu.memref_slice %arg3[%mul3A_4] : memref<32768xi32, #tpu.memory_space<hbm>> -> memref<1024xi32, #tpu.memory_space<hbm>>
      tpu.enqueue_dma source(%dma_start3A_30 : memref<1024xi32, #tpu.memory_space<hbm>>) target(%arg6 : memref<1024xi32, #tpu.memory_space<vmem>>) target_semaphore(%run_scoped3A : memref<!tpu.dma_semaphore, #tpu.memory_space<semaphore_mem>>)
      %dma_wait3A_31 = tpu.memref_slice %arg3[%mul3A_4] : memref<32768xi32, #tpu.memory_space<hbm>> -> memref<1024xi32, #tpu.memory_space<hbm>>
      %dma_wait3A_32 = tpu.memref_slice %arg3[%mul3A_4] : memref<32768xi32, #tpu.memory_space<hbm>> -> memref<1024xi32, #tpu.memory_space<hbm>>
      tpu.wait_dma2 semaphore(%run_scoped3A : memref<!tpu.dma_semaphore, #tpu.memory_space<semaphore_mem>>) src(%dma_wait3A_32 : memref<1024xi32, #tpu.memory_space<hbm>>) dst(%arg6 : memref<1024xi32, #tpu.memory_space<vmem>>)
      tpu.yield
    }) : () -> ()
    "tpu.region"() ({
      %run_scoped3A = tpu.sem_alloc : memref<!tpu.dma_semaphore, #tpu.memory_space<semaphore_mem>>
      tpu.enqueue_dma source(%arg4 : memref<16xi32, #tpu.memory_space<hbm>>) target(%arg12 : memref<16xi32, #tpu.memory_space<vmem>>) target_semaphore(%run_scoped3A : memref<!tpu.dma_semaphore, #tpu.memory_space<semaphore_mem>>)
      tpu.wait_dma2 semaphore(%run_scoped3A : memref<!tpu.dma_semaphore, #tpu.memory_space<semaphore_mem>>) src(%arg4 : memref<16xi32, #tpu.memory_space<hbm>>) dst(%arg12 : memref<16xi32, #tpu.memory_space<vmem>>)
      tpu.yield
    }) : () -> ()
    %get3A = arith.constant 0 : index
    %get3A_5 = tpu.vector_load %arg12[%get3A] {strides = array<i32>} : memref<16xi32, #tpu.memory_space<vmem>>, vector<16xi32>,
    %get3A_6 = vector.shape_cast %get3A_5 : vector<16xi32> to vector<16xi32>
    %scan3A = arith.constant 0 : i32
    %scan3A_7 = arith.constant 0 : i32
    %scan3A_8 = arith.constant 64 : i32
    %scan3A_9 = arith.addi %scan3A_7, %scan3A_8 : i32
    %scan3A_10 = arith.constant 1 : i32
    scf.for %scan3A_29 = %scan3A_7 to %scan3A_9 step %scan3A_10  : i32 {
      %mul3A_30 = arith.constant 16 : i32
      %mul3A_31 = arith.muli %scan3A_29, %mul3A_30 : i32
      %get3A_32 = arith.index_cast %mul3A_31 : i32 to index
      %get3A_33 = tpu.vector_load %arg6[%get3A_32] {strides = array<i32>} : memref<1024xi32, #tpu.memory_space<vmem>>, vector<16xi32>,
      %get3A_34 = vector.shape_cast %get3A_33 : vector<16xi32> to vector<16xi32>
      %add3A_35 = arith.addi %get3A_34, %get3A_6 : vector<16xi32>
      %mul3A_36 = arith.constant 16 : i32
      %mul3A_37 = arith.muli %scan3A_29, %mul3A_36 : i32
      %swap3A = arith.index_cast %mul3A_37 : i32 to index
      %swap3A_38 = tpu.vector_load %arg7[%swap3A] {strides = array<i32>} : memref<1024xi32, #tpu.memory_space<vmem>>, vector<16xi32>,
      %swap3A_39 = vector.shape_cast %swap3A_38 : vector<16xi32> to vector<16xi32>
      %swap3A_40 = vector.shape_cast %add3A_35 : vector<16xi32> to vector<16xi32>
      tpu.vector_store %arg7[%swap3A], %swap3A_40 {strides = array<i32>} : memref<1024xi32, #tpu.memory_space<vmem>>, vector<16xi32>,
    }
    %scan3A_11 = arith.constant 64 : i32
    %dma_start3A = arith.constant 0 : i32
    %dma_start3A_12 = tpu.memref_slice %arg7[%dma_start3A] : memref<1024xi32, #tpu.memory_space<vmem>> -> memref<32xi32, #tpu.memory_space<vmem>>
    %dma_start3A_13 = arith.constant 0 : i32
    %dma_start3A_14 = arith.constant 0 : i32
    %dma_start3A_15 = tpu.memref_slice %arg2[%dma_start3A_13, %dma_start3A_14] : memref<1792x1024xf32, #tpu.memory_space<hbm>> -> memref<1792x1024xf32, #tpu.memory_space<hbm>>
    tpu.enqueue_indirect_dma source(%dma_start3A_15 : memref<1792x1024xf32, #tpu.memory_space<hbm>>) target(%arg8 : memref<32x1024xf32, #tpu.memory_space<vmem>>) offsets(%dma_start3A_12 : memref<32xi32, #tpu.memory_space<vmem>>) semaphore(%arg13 : memref<!tpu.dma_semaphore, #tpu.memory_space<semaphore_mem>>)
    %scan3A_16 = arith.constant 0 : i32
    %scan3A_17 = arith.constant 0 : i32
    %scan3A_18 = arith.constant 16 : i32
    %scan3A_19 = arith.addi %scan3A_17, %scan3A_18 : i32
    %scan3A_20 = arith.constant 1 : i32
    scf.for %scan3A_29 = %scan3A_17 to %scan3A_19 step %scan3A_20  : i32 {
      %mul3A_30 = arith.constant 2 : i32
      %mul3A_31 = arith.muli %scan3A_29, %mul3A_30 : i32
      %add3A_32 = arith.constant 0 : i32
      %add3A_33 = arith.addi %mul3A_31, %add3A_32 : i32
      %dma_wait3A_34 = arith.constant 0 : i32
      %dma_wait3A_35 = tpu.memref_slice %arg7[%dma_wait3A_34] : memref<1024xi32, #tpu.memory_space<vmem>> -> memref<32xi32, #tpu.memory_space<vmem>>
      %dma_wait3A_36 = arith.constant 0 : i32
      %dma_wait3A_37 = arith.constant 0 : i32
      %dma_wait3A_38 = tpu.memref_slice %arg2[%dma_wait3A_36, %dma_wait3A_37] : memref<1792x1024xf32, #tpu.memory_space<hbm>> -> memref<1792x1024xf32, #tpu.memory_space<hbm>>
      tpu.wait_indirect_dma semaphore(%arg13 : memref<!tpu.dma_semaphore, #tpu.memory_space<semaphore_mem>>) src(%dma_wait3A_38 : memref<1792x1024xf32, #tpu.memory_space<hbm>>) dst(%arg8 : memref<32x1024xf32, #tpu.memory_space<vmem>>)
      %add3A_39 = arith.constant 1 : i32
      %add3A_40 = arith.addi %add3A_33, %add3A_39 : i32
      %lt3A = arith.constant 32 : i32
      %lt3A_41 = arith.cmpi slt, %add3A_40, %lt3A : i32
      %convert_element_type3A = arith.extui %lt3A_41 : i1 to i32
      %cond3A = arith.constant 0 : i32
      %cond3A_42 = arith.cmpi ne, %convert_element_type3A, %cond3A : i32
      scf.if %cond3A_42 {
        %add3A_92 = arith.constant 1 : i32
        %add3A_93 = arith.addi %add3A_33, %add3A_92 : i32
        %mul3A_94 = arith.constant 8 : i32
        %mul3A_95 = arith.muli %add3A_93, %mul3A_94 : i32
        %mul3A_96 = arith.constant 4 : i32
        %mul3A_97 = arith.muli %mul3A_95, %mul3A_96 : i32
        %dma_start3A_98 = tpu.memref_slice %arg7[%mul3A_97] : memref<1024xi32, #tpu.memory_space<vmem>> -> memref<32xi32, #tpu.memory_space<vmem>>
        %dma_start3A_99 = arith.constant 0 : i32
        %dma_start3A_100 = arith.constant 0 : i32
        %dma_start3A_101 = tpu.memref_slice %arg2[%dma_start3A_99, %dma_start3A_100] : memref<1792x1024xf32, #tpu.memory_space<hbm>> -> memref<1792x1024xf32, #tpu.memory_space<hbm>>
        tpu.enqueue_indirect_dma source(%dma_start3A_101 : memref<1792x1024xf32, #tpu.memory_space<hbm>>) target(%arg9 : memref<32x1024xf32, #tpu.memory_space<vmem>>) offsets(%dma_start3A_98 : memref<32xi32, #tpu.memory_space<vmem>>) semaphore(%arg14 : memref<!tpu.dma_semaphore, #tpu.memory_space<semaphore_mem>>)
      } else {
      }
      %ge3A = arith.constant 2 : i32
      %ge3A_43 = arith.cmpi sge, %add3A_33, %ge3A : i32
      %convert_element_type3A_44 = arith.extui %ge3A_43 : i1 to i32
      %cond3A_45 = arith.constant 0 : i32
      %cond3A_46 = arith.cmpi ne, %convert_element_type3A_44, %cond3A_45 : i32
      scf.if %cond3A_46 {
        %dma_wait3A_92 = arith.constant 0 : i32
        %dma_wait3A_93 = tpu.memref_slice %arg5[%mul3A_2, %dma_wait3A_92] : memref<8192x1024xf32, #tpu.memory_space<hbm>> -> memref<8x1024xf32, #tpu.memory_space<hbm>>
        %dma_wait3A_94 = arith.constant 0 : i32
        %dma_wait3A_95 = tpu.memref_slice %arg5[%mul3A_2, %dma_wait3A_94] : memref<8192x1024xf32, #tpu.memory_space<hbm>> -> memref<8x1024xf32, #tpu.memory_space<hbm>>
        tpu.wait_dma2 semaphore(%arg15 : memref<!tpu.dma_semaphore, #tpu.memory_space<semaphore_mem>>) src(%arg10 : memref<8x1024xf32, #tpu.memory_space<vmem>>) dst(%dma_wait3A_95 : memref<8x1024xf32, #tpu.memory_space<hbm>>)
      } else {
      }
      %scan3A_47 = arith.constant 0 : i32
      %scan3A_48 = arith.constant 0 : i32
      %scan3A_49 = arith.constant 64 : i32
      %scan3A_50 = arith.addi %scan3A_48, %scan3A_49 : i32
      %scan3A_51 = arith.constant 1 : i32
      scf.for %scan3A_92 = %scan3A_48 to %scan3A_50 step %scan3A_51  : i32 {
        %mul3A_93 = arith.constant 16 : i32
        %mul3A_94 = arith.muli %scan3A_92, %mul3A_93 : i32
        %get3A_95 = arith.constant 0 : i32
        %get3A_96 = arith.index_cast %get3A_95 : i32 to index
        %get3A_97 = arith.index_cast %mul3A_94 : i32 to index
        %get3A_98 = tpu.vector_load %arg8[%get3A_96, %get3A_97] {strides = array<i32>} : memref<32x1024xf32, #tpu.memory_space<vmem>>, vector<1x16xf32>,
        %get3A_99 = vector.shape_cast %get3A_98 : vector<1x16xf32> to vector<16xf32>
        %get3A_100 = arith.constant 1 : i32
        %get3A_101 = arith.index_cast %get3A_100 : i32 to index
        %get3A_102 = arith.index_cast %mul3A_94 : i32 to index
        %get3A_103 = tpu.vector_load %arg8[%get3A_101, %get3A_102] {strides = array<i32>} : memref<32x1024xf32, #tpu.memory_space<vmem>>, vector<1x16xf32>,
        %get3A_104 = vector.shape_cast %get3A_103 : vector<1x16xf32> to vector<16xf32>
        %add3A_105 = arith.addf %get3A_99, %get3A_104 : vector<16xf32>
        %get3A_106 = arith.constant 2 : i32
        %get3A_107 = arith.index_cast %get3A_106 : i32 to index
        %get3A_108 = arith.index_cast %mul3A_94 : i32 to index
        %get3A_109 = tpu.vector_load %arg8[%get3A_107, %get3A_108] {strides = array<i32>} : memref<32x1024xf32, #tpu.memory_space<vmem>>, vector<1x16xf32>,
        %get3A_110 = vector.shape_cast %get3A_109 : vector<1x16xf32> to vector<16xf32>
        %add3A_111 = arith.addf %add3A_105, %get3A_110 : vector<16xf32>
        %get3A_112 = arith.constant 3 : i32
        %get3A_113 = arith.index_cast %get3A_112 : i32 to index
        %get3A_114 = arith.index_cast %mul3A_94 : i32 to index
        %get3A_115 = tpu.vector_load %arg8[%get3A_113, %get3A_114] {strides = array<i32>} : memref<32x1024xf32, #tpu.memory_space<vmem>>, vector<1x16xf32>,
        %get3A_116 = vector.shape_cast %get3A_115 : vector<1x16xf32> to vector<16xf32>
        %add3A_117 = arith.addf %add3A_111, %get3A_116 : vector<16xf32>
        %swap3A = arith.constant 0 : i32
        %swap3A_118 = arith.index_cast %swap3A : i32 to index
        %swap3A_119 = arith.index_cast %mul3A_94 : i32 to index
        %swap3A_120 = tpu.vector_load %arg10[%swap3A_118, %swap3A_119] {strides = array<i32>} : memref<8x1024xf32, #tpu.memory_space<vmem>>, vector<1x16xf32>,
        %swap3A_121 = vector.shape_cast %swap3A_120 : vector<1x16xf32> to vector<16xf32>
        %swap3A_122 = vector.shape_cast %add3A_117 : vector<16xf32> to vector<1x16xf32>
        tpu.vector_store %arg10[%swap3A_118, %swap3A_119], %swap3A_122 {strides = array<i32>} : memref<8x1024xf32, #tpu.memory_space<vmem>>, vector<1x16xf32>,
        %get3A_123 = arith.constant 4 : i32
        %get3A_124 = arith.index_cast %get3A_123 : i32 to index
        %get3A_125 = arith.index_cast %mul3A_94 : i32 to index
        %get3A_126 = tpu.vector_load %arg8[%get3A_124, %get3A_125] {strides = array<i32>} : memref<32x1024xf32, #tpu.memory_space<vmem>>, vector<1x16xf32>,
        %get3A_127 = vector.shape_cast %get3A_126 : vector<1x16xf32> to vector<16xf32>
        %get3A_128 = arith.constant 5 : i32
        %get3A_129 = arith.index_cast %get3A_128 : i32 to index
        %get3A_130 = arith.index_cast %mul3A_94 : i32 to index
        %get3A_131 = tpu.vector_load %arg8[%get3A_129, %get3A_130] {strides = array<i32>} : memref<32x1024xf32, #tpu.memory_space<vmem>>, vector<1x16xf32>,
        %get3A_132 = vector.shape_cast %get3A_131 : vector<1x16xf32> to vector<16xf32>
        %add3A_133 = arith.addf %get3A_127, %get3A_132 : vector<16xf32>
        %get3A_134 = arith.constant 6 : i32
        %get3A_135 = arith.index_cast %get3A_134 : i32 to index
        %get3A_136 = arith.index_cast %mul3A_94 : i32 to index
        %get3A_137 = tpu.vector_load %arg8[%get3A_135, %get3A_136] {strides = array<i32>} : memref<32x1024xf32, #tpu.memory_space<vmem>>, vector<1x16xf32>,
        %get3A_138 = vector.shape_cast %get3A_137 : vector<1x16xf32> to vector<16xf32>
        %add3A_139 = arith.addf %add3A_133, %get3A_138 : vector<16xf32>
        %get3A_140 = arith.constant 7 : i32
        %get3A_141 = arith.index_cast %get3A_140 : i32 to index
        %get3A_142 = arith.index_cast %mul3A_94 : i32 to index
        %get3A_143 = tpu.vector_load %arg8[%get3A_141, %get3A_142] {strides = array<i32>} : memref<32x1024xf32, #tpu.memory_space<vmem>>, vector<1x16xf32>,
        %get3A_144 = vector.shape_cast %get3A_143 : vector<1x16xf32> to vector<16xf32>
        %add3A_145 = arith.addf %add3A_139, %get3A_144 : vector<16xf32>
        %swap3A_146 = arith.constant 1 : i32
        %swap3A_147 = arith.index_cast %swap3A_146 : i32 to index
        %swap3A_148 = arith.index_cast %mul3A_94 : i32 to index
        %swap3A_149 = tpu.vector_load %arg10[%swap3A_147, %swap3A_148] {strides = array<i32>} : memref<8x1024xf32, #tpu.memory_space<vmem>>, vector<1x16xf32>,
        %swap3A_150 = vector.shape_cast %swap3A_149 : vector<1x16xf32> to vector<16xf32>
        %swap3A_151 = vector.shape_cast %add3A_145 : vector<16xf32> to vector<1x16xf32>
        tpu.vector_store %arg10[%swap3A_147, %swap3A_148], %swap3A_151 {strides = array<i32>} : memref<8x1024xf32, #tpu.memory_space<vmem>>, vector<1x16xf32>,
        %get3A_152 = arith.constant 8 : i32
        %get3A_153 = arith.index_cast %get3A_152 : i32 to index
        %get3A_154 = arith.index_cast %mul3A_94 : i32 to index
        %get3A_155 = tpu.vector_load %arg8[%get3A_153, %get3A_154] {strides = array<i32>} : memref<32x1024xf32, #tpu.memory_space<vmem>>, vector<1x16xf32>,
        %get3A_156 = vector.shape_cast %get3A_155 : vector<1x16xf32> to vector<16xf32>
        %get3A_157 = arith.constant 9 : i32
        %get3A_158 = arith.index_cast %get3A_157 : i32 to index
        %get3A_159 = arith.index_cast %mul3A_94 : i32 to index
        %get3A_160 = tpu.vector_load %arg8[%get3A_158, %get3A_159] {strides = array<i32>} : memref<32x1024xf32, #tpu.memory_space<vmem>>, vector<1x16xf32>,
        %get3A_161 = vector.shape_cast %get3A_160 : vector<1x16xf32> to vector<16xf32>
        %add3A_162 = arith.addf %get3A_156, %get3A_161 : vector<16xf32>
        %get3A_163 = arith.constant 10 : i32
        %get3A_164 = arith.index_cast %get3A_163 : i32 to index
        %get3A_165 = arith.index_cast %mul3A_94 : i32 to index
        %get3A_166 = tpu.vector_load %arg8[%get3A_164, %get3A_165] {strides = array<i32>} : memref<32x1024xf32, #tpu.memory_space<vmem>>, vector<1x16xf32>,
        %get3A_167 = vector.shape_cast %get3A_166 : vector<1x16xf32> to vector<16xf32>
        %add3A_168 = arith.addf %add3A_162, %get3A_167 : vector<16xf32>
        %get3A_169 = arith.constant 11 : i32
        %get3A_170 = arith.index_cast %get3A_169 : i32 to index
        %get3A_171 = arith.index_cast %mul3A_94 : i32 to index
        %get3A_172 = tpu.vector_load %arg8[%get3A_170, %get3A_171] {strides = array<i32>} : memref<32x1024xf32, #tpu.memory_space<vmem>>, vector<1x16xf32>,
        %get3A_173 = vector.shape_cast %get3A_172 : vector<1x16xf32> to vector<16xf32>
        %add3A_174 = arith.addf %add3A_168, %get3A_173 : vector<16xf32>
        %swap3A_175 = arith.constant 2 : i32
        %swap3A_176 = arith.index_cast %swap3A_175 : i32 to index
        %swap3A_177 = arith.index_cast %mul3A_94 : i32 to index
        %swap3A_178 = tpu.vector_load %arg10[%swap3A_176, %swap3A_177] {strides = array<i32>} : memref<8x1024xf32, #tpu.memory_space<vmem>>, vector<1x16xf32>,
        %swap3A_179 = vector.shape_cast %swap3A_178 : vector<1x16xf32> to vector<16xf32>
        %swap3A_180 = vector.shape_cast %add3A_174 : vector<16xf32> to vector<1x16xf32>
        tpu.vector_store %arg10[%swap3A_176, %swap3A_177], %swap3A_180 {strides = array<i32>} : memref<8x1024xf32, #tpu.memory_space<vmem>>, vector<1x16xf32>,
        %get3A_181 = arith.constant 12 : i32
        %get3A_182 = arith.index_cast %get3A_181 : i32 to index
        %get3A_183 = arith.index_cast %mul3A_94 : i32 to index
        %get3A_184 = tpu.vector_load %arg8[%get3A_182, %get3A_183] {strides = array<i32>} : memref<32x1024xf32, #tpu.memory_space<vmem>>, vector<1x16xf32>,
        %get3A_185 = vector.shape_cast %get3A_184 : vector<1x16xf32> to vector<16xf32>
        %get3A_186 = arith.constant 13 : i32
        %get3A_187 = arith.index_cast %get3A_186 : i32 to index
        %get3A_188 = arith.index_cast %mul3A_94 : i32 to index
        %get3A_189 = tpu.vector_load %arg8[%get3A_187, %get3A_188] {strides = array<i32>} : memref<32x1024xf32, #tpu.memory_space<vmem>>, vector<1x16xf32>,
        %get3A_190 = vector.shape_cast %get3A_189 : vector<1x16xf32> to vector<16xf32>
        %add3A_191 = arith.addf %get3A_185, %get3A_190 : vector<16xf32>
        %get3A_192 = arith.constant 14 : i32
        %get3A_193 = arith.index_cast %get3A_192 : i32 to index
        %get3A_194 = arith.index_cast %mul3A_94 : i32 to index
        %get3A_195 = tpu.vector_load %arg8[%get3A_193, %get3A_194] {strides = array<i32>} : memref<32x1024xf32, #tpu.memory_space<vmem>>, vector<1x16xf32>,
        %get3A_196 = vector.shape_cast %get3A_195 : vector<1x16xf32> to vector<16xf32>
        %add3A_197 = arith.addf %add3A_191, %get3A_196 : vector<16xf32>
        %get3A_198 = arith.constant 15 : i32
        %get3A_199 = arith.index_cast %get3A_198 : i32 to index
        %get3A_200 = arith.index_cast %mul3A_94 : i32 to index
        %get3A_201 = tpu.vector_load %arg8[%get3A_199, %get3A_200] {strides = array<i32>} : memref<32x1024xf32, #tpu.memory_space<vmem>>, vector<1x16xf32>,
        %get3A_202 = vector.shape_cast %get3A_201 : vector<1x16xf32> to vector<16xf32>
        %add3A_203 = arith.addf %add3A_197, %get3A_202 : vector<16xf32>
        %swap3A_204 = arith.constant 3 : i32
        %swap3A_205 = arith.index_cast %swap3A_204 : i32 to index
        %swap3A_206 = arith.index_cast %mul3A_94 : i32 to index
        %swap3A_207 = tpu.vector_load %arg10[%swap3A_205, %swap3A_206] {strides = array<i32>} : memref<8x1024xf32, #tpu.memory_space<vmem>>, vector<1x16xf32>,
        %swap3A_208 = vector.shape_cast %swap3A_207 : vector<1x16xf32> to vector<16xf32>
        %swap3A_209 = vector.shape_cast %add3A_203 : vector<16xf32> to vector<1x16xf32>
        tpu.vector_store %arg10[%swap3A_205, %swap3A_206], %swap3A_209 {strides = array<i32>} : memref<8x1024xf32, #tpu.memory_space<vmem>>, vector<1x16xf32>,
        %get3A_210 = arith.constant 16 : i32
        %get3A_211 = arith.index_cast %get3A_210 : i32 to index
        %get3A_212 = arith.index_cast %mul3A_94 : i32 to index
        %get3A_213 = tpu.vector_load %arg8[%get3A_211, %get3A_212] {strides = array<i32>} : memref<32x1024xf32, #tpu.memory_space<vmem>>, vector<1x16xf32>,
        %get3A_214 = vector.shape_cast %get3A_213 : vector<1x16xf32> to vector<16xf32>
        %get3A_215 = arith.constant 17 : i32
        %get3A_216 = arith.index_cast %get3A_215 : i32 to index
        %get3A_217 = arith.index_cast %mul3A_94 : i32 to index
        %get3A_218 = tpu.vector_load %arg8[%get3A_216, %get3A_217] {strides = array<i32>} : memref<32x1024xf32, #tpu.memory_space<vmem>>, vector<1x16xf32>,
        %get3A_219 = vector.shape_cast %get3A_218 : vector<1x16xf32> to vector<16xf32>
        %add3A_220 = arith.addf %get3A_214, %get3A_219 : vector<16xf32>
        %get3A_221 = arith.constant 18 : i32
        %get3A_222 = arith.index_cast %get3A_221 : i32 to index
        %get3A_223 = arith.index_cast %mul3A_94 : i32 to index
        %get3A_224 = tpu.vector_load %arg8[%get3A_222, %get3A_223] {strides = array<i32>} : memref<32x1024xf32, #tpu.memory_space<vmem>>, vector<1x16xf32>,
        %get3A_225 = vector.shape_cast %get3A_224 : vector<1x16xf32> to vector<16xf32>
        %add3A_226 = arith.addf %add3A_220, %get3A_225 : vector<16xf32>
        %get3A_227 = arith.constant 19 : i32
        %get3A_228 = arith.index_cast %get3A_227 : i32 to index
        %get3A_229 = arith.index_cast %mul3A_94 : i32 to index
        %get3A_230 = tpu.vector_load %arg8[%get3A_228, %get3A_229] {strides = array<i32>} : memref<32x1024xf32, #tpu.memory_space<vmem>>, vector<1x16xf32>,
        %get3A_231 = vector.shape_cast %get3A_230 : vector<1x16xf32> to vector<16xf32>
        %add3A_232 = arith.addf %add3A_226, %get3A_231 : vector<16xf32>
        %swap3A_233 = arith.constant 4 : i32
        %swap3A_234 = arith.index_cast %swap3A_233 : i32 to index
        %swap3A_235 = arith.index_cast %mul3A_94 : i32 to index
        %swap3A_236 = tpu.vector_load %arg10[%swap3A_234, %swap3A_235] {strides = array<i32>} : memref<8x1024xf32, #tpu.memory_space<vmem>>, vector<1x16xf32>,
        %swap3A_237 = vector.shape_cast %swap3A_236 : vector<1x16xf32> to vector<16xf32>
        %swap3A_238 = vector.shape_cast %add3A_232 : vector<16xf32> to vector<1x16xf32>
        tpu.vector_store %arg10[%swap3A_234, %swap3A_235], %swap3A_238 {strides = array<i32>} : memref<8x1024xf32, #tpu.memory_space<vmem>>, vector<1x16xf32>,
        %get3A_239 = arith.constant 20 : i32
        %get3A_240 = arith.index_cast %get3A_239 : i32 to index
        %get3A_241 = arith.index_cast %mul3A_94 : i32 to index
        %get3A_242 = tpu.vector_load %arg8[%get3A_240, %get3A_241] {strides = array<i32>} : memref<32x1024xf32, #tpu.memory_space<vmem>>, vector<1x16xf32>,
        %get3A_243 = vector.shape_cast %get3A_242 : vector<1x16xf32> to vector<16xf32>
        %get3A_244 = arith.constant 21 : i32
        %get3A_245 = arith.index_cast %get3A_244 : i32 to index
        %get3A_246 = arith.index_cast %mul3A_94 : i32 to index
        %get3A_247 = tpu.vector_load %arg8[%get3A_245, %get3A_246] {strides = array<i32>} : memref<32x1024xf32, #tpu.memory_space<vmem>>, vector<1x16xf32>,
        %get3A_248 = vector.shape_cast %get3A_247 : vector<1x16xf32> to vector<16xf32>
        %add3A_249 = arith.addf %get3A_243, %get3A_248 : vector<16xf32>
        %get3A_250 = arith.constant 22 : i32
        %get3A_251 = arith.index_cast %get3A_250 : i32 to index
        %get3A_252 = arith.index_cast %mul3A_94 : i32 to index
        %get3A_253 = tpu.vector_load %arg8[%get3A_251, %get3A_252] {strides = array<i32>} : memref<32x1024xf32, #tpu.memory_space<vmem>>, vector<1x16xf32>,
        %get3A_254 = vector.shape_cast %get3A_253 : vector<1x16xf32> to vector<16xf32>
        %add3A_255 = arith.addf %add3A_249, %get3A_254 : vector<16xf32>
        %get3A_256 = arith.constant 23 : i32
        %get3A_257 = arith.index_cast %get3A_256 : i32 to index
        %get3A_258 = arith.index_cast %mul3A_94 : i32 to index
        %get3A_259 = tpu.vector_load %arg8[%get3A_257, %get3A_258] {strides = array<i32>} : memref<32x1024xf32, #tpu.memory_space<vmem>>, vector<1x16xf32>,
        %get3A_260 = vector.shape_cast %get3A_259 : vector<1x16xf32> to vector<16xf32>
        %add3A_261 = arith.addf %add3A_255, %get3A_260 : vector<16xf32>
        %swap3A_262 = arith.constant 5 : i32
        %swap3A_263 = arith.index_cast %swap3A_262 : i32 to index
        %swap3A_264 = arith.index_cast %mul3A_94 : i32 to index
        %swap3A_265 = tpu.vector_load %arg10[%swap3A_263, %swap3A_264] {strides = array<i32>} : memref<8x1024xf32, #tpu.memory_space<vmem>>, vector<1x16xf32>,
        %swap3A_266 = vector.shape_cast %swap3A_265 : vector<1x16xf32> to vector<16xf32>
        %swap3A_267 = vector.shape_cast %add3A_261 : vector<16xf32> to vector<1x16xf32>
        tpu.vector_store %arg10[%swap3A_263, %swap3A_264], %swap3A_267 {strides = array<i32>} : memref<8x1024xf32, #tpu.memory_space<vmem>>, vector<1x16xf32>,
        %get3A_268 = arith.constant 24 : i32
        %get3A_269 = arith.index_cast %get3A_268 : i32 to index
        %get3A_270 = arith.index_cast %mul3A_94 : i32 to index
        %get3A_271 = tpu.vector_load %arg8[%get3A_269, %get3A_270] {strides = array<i32>} : memref<32x1024xf32, #tpu.memory_space<vmem>>, vector<1x16xf32>,
        %get3A_272 = vector.shape_cast %get3A_271 : vector<1x16xf32> to vector<16xf32>
        %get3A_273 = arith.constant 25 : i32
        %get3A_274 = arith.index_cast %get3A_273 : i32 to index
        %get3A_275 = arith.index_cast %mul3A_94 : i32 to index
        %get3A_276 = tpu.vector_load %arg8[%get3A_274, %get3A_275] {strides = array<i32>} : memref<32x1024xf32, #tpu.memory_space<vmem>>, vector<1x16xf32>,
        %get3A_277 = vector.shape_cast %get3A_276 : vector<1x16xf32> to vector<16xf32>
        %add3A_278 = arith.addf %get3A_272, %get3A_277 : vector<16xf32>
        %get3A_279 = arith.constant 26 : i32
        %get3A_280 = arith.index_cast %get3A_279 : i32 to index
        %get3A_281 = arith.index_cast %mul3A_94 : i32 to index
        %get3A_282 = tpu.vector_load %arg8[%get3A_280, %get3A_281] {strides = array<i32>} : memref<32x1024xf32, #tpu.memory_space<vmem>>, vector<1x16xf32>,
        %get3A_283 = vector.shape_cast %get3A_282 : vector<1x16xf32> to vector<16xf32>
        %add3A_284 = arith.addf %add3A_278, %get3A_283 : vector<16xf32>
        %get3A_285 = arith.constant 27 : i32
        %get3A_286 = arith.index_cast %get3A_285 : i32 to index
        %get3A_287 = arith.index_cast %mul3A_94 : i32 to index
        %get3A_288 = tpu.vector_load %arg8[%get3A_286, %get3A_287] {strides = array<i32>} : memref<32x1024xf32, #tpu.memory_space<vmem>>, vector<1x16xf32>,
        %get3A_289 = vector.shape_cast %get3A_288 : vector<1x16xf32> to vector<16xf32>
        %add3A_290 = arith.addf %add3A_284, %get3A_289 : vector<16xf32>
        %swap3A_291 = arith.constant 6 : i32
        %swap3A_292 = arith.index_cast %swap3A_291 : i32 to index
        %swap3A_293 = arith.index_cast %mul3A_94 : i32 to index
        %swap3A_294 = tpu.vector_load %arg10[%swap3A_292, %swap3A_293] {strides = array<i32>} : memref<8x1024xf32, #tpu.memory_space<vmem>>, vector<1x16xf32>,
        %swap3A_295 = vector.shape_cast %swap3A_294 : vector<1x16xf32> to vector<16xf32>
        %swap3A_296 = vector.shape_cast %add3A_290 : vector<16xf32> to vector<1x16xf32>
        tpu.vector_store %arg10[%swap3A_292, %swap3A_293], %swap3A_296 {strides = array<i32>} : memref<8x1024xf32, #tpu.memory_space<vmem>>, vector<1x16xf32>,
        %get3A_297 = arith.constant 28 : i32
        %get3A_298 = arith.index_cast %get3A_297 : i32 to index
        %get3A_299 = arith.index_cast %mul3A_94 : i32 to index
        %get3A_300 = tpu.vector_load %arg8[%get3A_298, %get3A_299] {strides = array<i32>} : memref<32x1024xf32, #tpu.memory_space<vmem>>, vector<1x16xf32>,
        %get3A_301 = vector.shape_cast %get3A_300 : vector<1x16xf32> to vector<16xf32>
        %get3A_302 = arith.constant 29 : i32
        %get3A_303 = arith.index_cast %get3A_302 : i32 to index
        %get3A_304 = arith.index_cast %mul3A_94 : i32 to index
        %get3A_305 = tpu.vector_load %arg8[%get3A_303, %get3A_304] {strides = array<i32>} : memref<32x1024xf32, #tpu.memory_space<vmem>>, vector<1x16xf32>,
        %get3A_306 = vector.shape_cast %get3A_305 : vector<1x16xf32> to vector<16xf32>
        %add3A_307 = arith.addf %get3A_301, %get3A_306 : vector<16xf32>
        %get3A_308 = arith.constant 30 : i32
        %get3A_309 = arith.index_cast %get3A_308 : i32 to index
        %get3A_310 = arith.index_cast %mul3A_94 : i32 to index
        %get3A_311 = tpu.vector_load %arg8[%get3A_309, %get3A_310] {strides = array<i32>} : memref<32x1024xf32, #tpu.memory_space<vmem>>, vector<1x16xf32>,
        %get3A_312 = vector.shape_cast %get3A_311 : vector<1x16xf32> to vector<16xf32>
        %add3A_313 = arith.addf %add3A_307, %get3A_312 : vector<16xf32>
        %get3A_314 = arith.constant 31 : i32
        %get3A_315 = arith.index_cast %get3A_314 : i32 to index
        %get3A_316 = arith.index_cast %mul3A_94 : i32 to index
        %get3A_317 = tpu.vector_load %arg8[%get3A_315, %get3A_316] {strides = array<i32>} : memref<32x1024xf32, #tpu.memory_space<vmem>>, vector<1x16xf32>,
        %get3A_318 = vector.shape_cast %get3A_317 : vector<1x16xf32> to vector<16xf32>
        %add3A_319 = arith.addf %add3A_313, %get3A_318 : vector<16xf32>
        %swap3A_320 = arith.constant 7 : i32
        %swap3A_321 = arith.index_cast %swap3A_320 : i32 to index
        %swap3A_322 = arith.index_cast %mul3A_94 : i32 to index
        %swap3A_323 = tpu.vector_load %arg10[%swap3A_321, %swap3A_322] {strides = array<i32>} : memref<8x1024xf32, #tpu.memory_space<vmem>>, vector<1x16xf32>,
        %swap3A_324 = vector.shape_cast %swap3A_323 : vector<1x16xf32> to vector<16xf32>
        %swap3A_325 = vector.shape_cast %add3A_319 : vector<16xf32> to vector<1x16xf32>
        tpu.vector_store %arg10[%swap3A_321, %swap3A_322], %swap3A_325 {strides = array<i32>} : memref<8x1024xf32, #tpu.memory_space<vmem>>, vector<1x16xf32>,
      }
      %scan3A_52 = arith.constant 64 : i32
      %mul3A_53 = arith.constant 8 : i32
      %mul3A_54 = arith.muli %add3A_33, %mul3A_53 : i32
      %add3A_55 = arith.addi %mul3A_2, %mul3A_54 : i32
      %dma_start3A_56 = arith.constant 0 : i32
      %dma_start3A_57 = tpu.memref_slice %arg5[%add3A_55, %dma_start3A_56] : memref<8192x1024xf32, #tpu.memory_space<hbm>> -> memref<8x1024xf32, #tpu.memory_space<hbm>>
      %dma_start3A_58 = arith.constant 0 : i32
      %dma_start3A_59 = tpu.memref_slice %arg5[%add3A_55, %dma_start3A_58] : memref<8192x1024xf32, #tpu.memory_space<hbm>> -> memref<8x1024xf32, #tpu.memory_space<hbm>>
      tpu.enqueue_dma source(%arg10 : memref<8x1024xf32, #tpu.memory_space<vmem>>) target(%dma_start3A_59 : memref<8x1024xf32, #tpu.memory_space<hbm>>) target_semaphore(%arg15 : memref<!tpu.dma_semaphore, #tpu.memory_space<semaphore_mem>>)
      %add3A_60 = arith.constant 1 : i32
      %add3A_61 = arith.addi %mul3A_31, %add3A_60 : i32
      %dma_wait3A_62 = arith.constant 0 : i32
      %dma_wait3A_63 = tpu.memref_slice %arg7[%dma_wait3A_62] : memref<1024xi32, #tpu.memory_space<vmem>> -> memref<32xi32, #tpu.memory_space<vmem>>
      %dma_wait3A_64 = arith.constant 0 : i32
      %dma_wait3A_65 = arith.constant 0 : i32
      %dma_wait3A_66 = tpu.memref_slice %arg2[%dma_wait3A_64, %dma_wait3A_65] : memref<1792x1024xf32, #tpu.memory_space<hbm>> -> memref<1792x1024xf32, #tpu.memory_space<hbm>>
      tpu.wait_indirect_dma semaphore(%arg14 : memref<!tpu.dma_semaphore, #tpu.memory_space<semaphore_mem>>) src(%dma_wait3A_66 : memref<1792x1024xf32, #tpu.memory_space<hbm>>) dst(%arg9 : memref<32x1024xf32, #tpu.memory_space<vmem>>)
      %add3A_67 = arith.constant 1 : i32
      %add3A_68 = arith.addi %add3A_61, %add3A_67 : i32
      %lt3A_69 = arith.constant 32 : i32
      %lt3A_70 = arith.cmpi slt, %add3A_68, %lt3A_69 : i32
      %convert_element_type3A_71 = arith.extui %lt3A_70 : i1 to i32
      %cond3A_72 = arith.constant 0 : i32
      %cond3A_73 = arith.cmpi ne, %convert_element_type3A_71, %cond3A_72 : i32
      scf.if %cond3A_73 {
        %add3A_92 = arith.constant 1 : i32
        %add3A_93 = arith.addi %add3A_61, %add3A_92 : i32
        %mul3A_94 = arith.constant 8 : i32
        %mul3A_95 = arith.muli %add3A_93, %mul3A_94 : i32
        %mul3A_96 = arith.constant 4 : i32
        %mul3A_97 = arith.muli %mul3A_95, %mul3A_96 : i32
        %dma_start3A_98 = tpu.memref_slice %arg7[%mul3A_97] : memref<1024xi32, #tpu.memory_space<vmem>> -> memref<32xi32, #tpu.memory_space<vmem>>
        %dma_start3A_99 = arith.constant 0 : i32
        %dma_start3A_100 = arith.constant 0 : i32
        %dma_start3A_101 = tpu.memref_slice %arg2[%dma_start3A_99, %dma_start3A_100] : memref<1792x1024xf32, #tpu.memory_space<hbm>> -> memref<1792x1024xf32, #tpu.memory_space<hbm>>
        tpu.enqueue_indirect_dma source(%dma_start3A_101 : memref<1792x1024xf32, #tpu.memory_space<hbm>>) target(%arg8 : memref<32x1024xf32, #tpu.memory_space<vmem>>) offsets(%dma_start3A_98 : memref<32xi32, #tpu.memory_space<vmem>>) semaphore(%arg13 : memref<!tpu.dma_semaphore, #tpu.memory_space<semaphore_mem>>)
      } else {
      }
      %ge3A_74 = arith.constant 2 : i32
      %ge3A_75 = arith.cmpi sge, %add3A_61, %ge3A_74 : i32
      %convert_element_type3A_76 = arith.extui %ge3A_75 : i1 to i32
      %cond3A_77 = arith.constant 0 : i32
      %cond3A_78 = arith.cmpi ne, %convert_element_type3A_76, %cond3A_77 : i32
      scf.if %cond3A_78 {
        %dma_wait3A_92 = arith.constant 0 : i32
        %dma_wait3A_93 = tpu.memref_slice %arg5[%mul3A_2, %dma_wait3A_92] : memref<8192x1024xf32, #tpu.memory_space<hbm>> -> memref<8x1024xf32, #tpu.memory_space<hbm>>
        %dma_wait3A_94 = arith.constant 0 : i32
        %dma_wait3A_95 = tpu.memref_slice %arg5[%mul3A_2, %dma_wait3A_94] : memref<8192x1024xf32, #tpu.memory_space<hbm>> -> memref<8x1024xf32, #tpu.memory_space<hbm>>
        tpu.wait_dma2 semaphore(%arg16 : memref<!tpu.dma_semaphore, #tpu.memory_space<semaphore_mem>>) src(%arg11 : memref<8x1024xf32, #tpu.memory_space<vmem>>) dst(%dma_wait3A_95 : memref<8x1024xf32, #tpu.memory_space<hbm>>)
      } else {
      }
      %scan3A_79 = arith.constant 0 : i32
      %scan3A_80 = arith.constant 0 : i32
      %scan3A_81 = arith.constant 64 : i32
      %scan3A_82 = arith.addi %scan3A_80, %scan3A_81 : i32
      %scan3A_83 = arith.constant 1 : i32
      scf.for %scan3A_92 = %scan3A_80 to %scan3A_82 step %scan3A_83  : i32 {
        %mul3A_93 = arith.constant 16 : i32
        %mul3A_94 = arith.muli %scan3A_92, %mul3A_93 : i32
        %get3A_95 = arith.constant 0 : i32
        %get3A_96 = arith.index_cast %get3A_95 : i32 to index
        %get3A_97 = arith.index_cast %mul3A_94 : i32 to index
        %get3A_98 = tpu.vector_load %arg9[%get3A_96, %get3A_97] {strides = array<i32>} : memref<32x1024xf32, #tpu.memory_space<vmem>>, vector<1x16xf32>,
        %get3A_99 = vector.shape_cast %get3A_98 : vector<1x16xf32> to vector<16xf32>
        %get3A_100 = arith.constant 1 : i32
        %get3A_101 = arith.index_cast %get3A_100 : i32 to index
        %get3A_102 = arith.index_cast %mul3A_94 : i32 to index
        %get3A_103 = tpu.vector_load %arg9[%get3A_101, %get3A_102] {strides = array<i32>} : memref<32x1024xf32, #tpu.memory_space<vmem>>, vector<1x16xf32>,
        %get3A_104 = vector.shape_cast %get3A_103 : vector<1x16xf32> to vector<16xf32>
        %add3A_105 = arith.addf %get3A_99, %get3A_104 : vector<16xf32>
        %get3A_106 = arith.constant 2 : i32
        %get3A_107 = arith.index_cast %get3A_106 : i32 to index
        %get3A_108 = arith.index_cast %mul3A_94 : i32 to index
        %get3A_109 = tpu.vector_load %arg9[%get3A_107, %get3A_108] {strides = array<i32>} : memref<32x1024xf32, #tpu.memory_space<vmem>>, vector<1x16xf32>,
        %get3A_110 = vector.shape_cast %get3A_109 : vector<1x16xf32> to vector<16xf32>
        %add3A_111 = arith.addf %add3A_105, %get3A_110 : vector<16xf32>
        %get3A_112 = arith.constant 3 : i32
        %get3A_113 = arith.index_cast %get3A_112 : i32 to index
        %get3A_114 = arith.index_cast %mul3A_94 : i32 to index
        %get3A_115 = tpu.vector_load %arg9[%get3A_113, %get3A_114] {strides = array<i32>} : memref<32x1024xf32, #tpu.memory_space<vmem>>, vector<1x16xf32>,
        %get3A_116 = vector.shape_cast %get3A_115 : vector<1x16xf32> to vector<16xf32>
        %add3A_117 = arith.addf %add3A_111, %get3A_116 : vector<16xf32>
        %swap3A = arith.constant 0 : i32
        %swap3A_118 = arith.index_cast %swap3A : i32 to index
        %swap3A_119 = arith.index_cast %mul3A_94 : i32 to index
        %swap3A_120 = tpu.vector_load %arg11[%swap3A_118, %swap3A_119] {strides = array<i32>} : memref<8x1024xf32, #tpu.memory_space<vmem>>, vector<1x16xf32>,
        %swap3A_121 = vector.shape_cast %swap3A_120 : vector<1x16xf32> to vector<16xf32>
        %swap3A_122 = vector.shape_cast %add3A_117 : vector<16xf32> to vector<1x16xf32>
        tpu.vector_store %arg11[%swap3A_118, %swap3A_119], %swap3A_122 {strides = array<i32>} : memref<8x1024xf32, #tpu.memory_space<vmem>>, vector<1x16xf32>,
        %get3A_123 = arith.constant 4 : i32
        %get3A_124 = arith.index_cast %get3A_123 : i32 to index
        %get3A_125 = arith.index_cast %mul3A_94 : i32 to index
        %get3A_126 = tpu.vector_load %arg9[%get3A_124, %get3A_125] {strides = array<i32>} : memref<32x1024xf32, #tpu.memory_space<vmem>>, vector<1x16xf32>,
        %get3A_127 = vector.shape_cast %get3A_126 : vector<1x16xf32> to vector<16xf32>
        %get3A_128 = arith.constant 5 : i32
        %get3A_129 = arith.index_cast %get3A_128 : i32 to index
        %get3A_130 = arith.index_cast %mul3A_94 : i32 to index
        %get3A_131 = tpu.vector_load %arg9[%get3A_129, %get3A_130] {strides = array<i32>} : memref<32x1024xf32, #tpu.memory_space<vmem>>, vector<1x16xf32>,
        %get3A_132 = vector.shape_cast %get3A_131 : vector<1x16xf32> to vector<16xf32>
        %add3A_133 = arith.addf %get3A_127, %get3A_132 : vector<16xf32>
        %get3A_134 = arith.constant 6 : i32
        %get3A_135 = arith.index_cast %get3A_134 : i32 to index
        %get3A_136 = arith.index_cast %mul3A_94 : i32 to index
        %get3A_137 = tpu.vector_load %arg9[%get3A_135, %get3A_136] {strides = array<i32>} : memref<32x1024xf32, #tpu.memory_space<vmem>>, vector<1x16xf32>,
        %get3A_138 = vector.shape_cast %get3A_137 : vector<1x16xf32> to vector<16xf32>
        %add3A_139 = arith.addf %add3A_133, %get3A_138 : vector<16xf32>
        %get3A_140 = arith.constant 7 : i32
        %get3A_141 = arith.index_cast %get3A_140 : i32 to index
        %get3A_142 = arith.index_cast %mul3A_94 : i32 to index
        %get3A_143 = tpu.vector_load %arg9[%get3A_141, %get3A_142] {strides = array<i32>} : memref<32x1024xf32, #tpu.memory_space<vmem>>, vector<1x16xf32>,
        %get3A_144 = vector.shape_cast %get3A_143 : vector<1x16xf32> to vector<16xf32>
        %add3A_145 = arith.addf %add3A_139, %get3A_144 : vector<16xf32>
        %swap3A_146 = arith.constant 1 : i32
        %swap3A_147 = arith.index_cast %swap3A_146 : i32 to index
        %swap3A_148 = arith.index_cast %mul3A_94 : i32 to index
        %swap3A_149 = tpu.vector_load %arg11[%swap3A_147, %swap3A_148] {strides = array<i32>} : memref<8x1024xf32, #tpu.memory_space<vmem>>, vector<1x16xf32>,
        %swap3A_150 = vector.shape_cast %swap3A_149 : vector<1x16xf32> to vector<16xf32>
        %swap3A_151 = vector.shape_cast %add3A_145 : vector<16xf32> to vector<1x16xf32>
        tpu.vector_store %arg11[%swap3A_147, %swap3A_148], %swap3A_151 {strides = array<i32>} : memref<8x1024xf32, #tpu.memory_space<vmem>>, vector<1x16xf32>,
        %get3A_152 = arith.constant 8 : i32
        %get3A_153 = arith.index_cast %get3A_152 : i32 to index
        %get3A_154 = arith.index_cast %mul3A_94 : i32 to index
        %get3A_155 = tpu.vector_load %arg9[%get3A_153, %get3A_154] {strides = array<i32>} : memref<32x1024xf32, #tpu.memory_space<vmem>>, vector<1x16xf32>,
        %get3A_156 = vector.shape_cast %get3A_155 : vector<1x16xf32> to vector<16xf32>
        %get3A_157 = arith.constant 9 : i32
        %get3A_158 = arith.index_cast %get3A_157 : i32 to index
        %get3A_159 = arith.index_cast %mul3A_94 : i32 to index
        %get3A_160 = tpu.vector_load %arg9[%get3A_158, %get3A_159] {strides = array<i32>} : memref<32x1024xf32, #tpu.memory_space<vmem>>, vector<1x16xf32>,
        %get3A_161 = vector.shape_cast %get3A_160 : vector<1x16xf32> to vector<16xf32>
        %add3A_162 = arith.addf %get3A_156, %get3A_161 : vector<16xf32>
        %get3A_163 = arith.constant 10 : i32
        %get3A_164 = arith.index_cast %get3A_163 : i32 to index
        %get3A_165 = arith.index_cast %mul3A_94 : i32 to index
        %get3A_166 = tpu.vector_load %arg9[%get3A_164, %get3A_165] {strides = array<i32>} : memref<32x1024xf32, #tpu.memory_space<vmem>>, vector<1x16xf32>,
        %get3A_167 = vector.shape_cast %get3A_166 : vector<1x16xf32> to vector<16xf32>
        %add3A_168 = arith.addf %add3A_162, %get3A_167 : vector<16xf32>
        %get3A_169 = arith.constant 11 : i32
        %get3A_170 = arith.index_cast %get3A_169 : i32 to index
        %get3A_171 = arith.index_cast %mul3A_94 : i32 to index
        %get3A_172 = tpu.vector_load %arg9[%get3A_170, %get3A_171] {strides = array<i32>} : memref<32x1024xf32, #tpu.memory_space<vmem>>, vector<1x16xf32>,
        %get3A_173 = vector.shape_cast %get3A_172 : vector<1x16xf32> to vector<16xf32>
        %add3A_174 = arith.addf %add3A_168, %get3A_173 : vector<16xf32>
        %swap3A_175 = arith.constant 2 : i32
        %swap3A_176 = arith.index_cast %swap3A_175 : i32 to index
        %swap3A_177 = arith.index_cast %mul3A_94 : i32 to index
        %swap3A_178 = tpu.vector_load %arg11[%swap3A_176, %swap3A_177] {strides = array<i32>} : memref<8x1024xf32, #tpu.memory_space<vmem>>, vector<1x16xf32>,
        %swap3A_179 = vector.shape_cast %swap3A_178 : vector<1x16xf32> to vector<16xf32>
        %swap3A_180 = vector.shape_cast %add3A_174 : vector<16xf32> to vector<1x16xf32>
        tpu.vector_store %arg11[%swap3A_176, %swap3A_177], %swap3A_180 {strides = array<i32>} : memref<8x1024xf32, #tpu.memory_space<vmem>>, vector<1x16xf32>,
        %get3A_181 = arith.constant 12 : i32
        %get3A_182 = arith.index_cast %get3A_181 : i32 to index
        %get3A_183 = arith.index_cast %mul3A_94 : i32 to index
        %get3A_184 = tpu.vector_load %arg9[%get3A_182, %get3A_183] {strides = array<i32>} : memref<32x1024xf32, #tpu.memory_space<vmem>>, vector<1x16xf32>,
        %get3A_185 = vector.shape_cast %get3A_184 : vector<1x16xf32> to vector<16xf32>
        %get3A_186 = arith.constant 13 : i32
        %get3A_187 = arith.index_cast %get3A_186 : i32 to index
        %get3A_188 = arith.index_cast %mul3A_94 : i32 to index
        %get3A_189 = tpu.vector_load %arg9[%get3A_187, %get3A_188] {strides = array<i32>} : memref<32x1024xf32, #tpu.memory_space<vmem>>, vector<1x16xf32>,
        %get3A_190 = vector.shape_cast %get3A_189 : vector<1x16xf32> to vector<16xf32>
        %add3A_191 = arith.addf %get3A_185, %get3A_190 : vector<16xf32>
        %get3A_192 = arith.constant 14 : i32
        %get3A_193 = arith.index_cast %get3A_192 : i32 to index
        %get3A_194 = arith.index_cast %mul3A_94 : i32 to index
        %get3A_195 = tpu.vector_load %arg9[%get3A_193, %get3A_194] {strides = array<i32>} : memref<32x1024xf32, #tpu.memory_space<vmem>>, vector<1x16xf32>,
        %get3A_196 = vector.shape_cast %get3A_195 : vector<1x16xf32> to vector<16xf32>
        %add3A_197 = arith.addf %add3A_191, %get3A_196 : vector<16xf32>
        %get3A_198 = arith.constant 15 : i32
        %get3A_199 = arith.index_cast %get3A_198 : i32 to index
        %get3A_200 = arith.index_cast %mul3A_94 : i32 to index
        %get3A_201 = tpu.vector_load %arg9[%get3A_199, %get3A_200] {strides = array<i32>} : memref<32x1024xf32, #tpu.memory_space<vmem>>, vector<1x16xf32>,
        %get3A_202 = vector.shape_cast %get3A_201 : vector<1x16xf32> to vector<16xf32>
        %add3A_203 = arith.addf %add3A_197, %get3A_202 : vector<16xf32>
        %swap3A_204 = arith.constant 3 : i32
        %swap3A_205 = arith.index_cast %swap3A_204 : i32 to index
        %swap3A_206 = arith.index_cast %mul3A_94 : i32 to index
        %swap3A_207 = tpu.vector_load %arg11[%swap3A_205, %swap3A_206] {strides = array<i32>} : memref<8x1024xf32, #tpu.memory_space<vmem>>, vector<1x16xf32>,
        %swap3A_208 = vector.shape_cast %swap3A_207 : vector<1x16xf32> to vector<16xf32>
        %swap3A_209 = vector.shape_cast %add3A_203 : vector<16xf32> to vector<1x16xf32>
        tpu.vector_store %arg11[%swap3A_205, %swap3A_206], %swap3A_209 {strides = array<i32>} : memref<8x1024xf32, #tpu.memory_space<vmem>>, vector<1x16xf32>,
        %get3A_210 = arith.constant 16 : i32
        %get3A_211 = arith.index_cast %get3A_210 : i32 to index
        %get3A_212 = arith.index_cast %mul3A_94 : i32 to index
        %get3A_213 = tpu.vector_load %arg9[%get3A_211, %get3A_212] {strides = array<i32>} : memref<32x1024xf32, #tpu.memory_space<vmem>>, vector<1x16xf32>,
        %get3A_214 = vector.shape_cast %get3A_213 : vector<1x16xf32> to vector<16xf32>
        %get3A_215 = arith.constant 17 : i32
        %get3A_216 = arith.index_cast %get3A_215 : i32 to index
        %get3A_217 = arith.index_cast %mul3A_94 : i32 to index
        %get3A_218 = tpu.vector_load %arg9[%get3A_216, %get3A_217] {strides = array<i32>} : memref<32x1024xf32, #tpu.memory_space<vmem>>, vector<1x16xf32>,
        %get3A_219 = vector.shape_cast %get3A_218 : vector<1x16xf32> to vector<16xf32>
        %add3A_220 = arith.addf %get3A_214, %get3A_219 : vector<16xf32>
        %get3A_221 = arith.constant 18 : i32
        %get3A_222 = arith.index_cast %get3A_221 : i32 to index
        %get3A_223 = arith.index_cast %mul3A_94 : i32 to index
        %get3A_224 = tpu.vector_load %arg9[%get3A_222, %get3A_223] {strides = array<i32>} : memref<32x1024xf32, #tpu.memory_space<vmem>>, vector<1x16xf32>,
        %get3A_225 = vector.shape_cast %get3A_224 : vector<1x16xf32> to vector<16xf32>
        %add3A_226 = arith.addf %add3A_220, %get3A_225 : vector<16xf32>
        %get3A_227 = arith.constant 19 : i32
        %get3A_228 = arith.index_cast %get3A_227 : i32 to index
        %get3A_229 = arith.index_cast %mul3A_94 : i32 to index
        %get3A_230 = tpu.vector_load %arg9[%get3A_228, %get3A_229] {strides = array<i32>} : memref<32x1024xf32, #tpu.memory_space<vmem>>, vector<1x16xf32>,
        %get3A_231 = vector.shape_cast %get3A_230 : vector<1x16xf32> to vector<16xf32>
        %add3A_232 = arith.addf %add3A_226, %get3A_231 : vector<16xf32>
        %swap3A_233 = arith.constant 4 : i32
        %swap3A_234 = arith.index_cast %swap3A_233 : i32 to index
        %swap3A_235 = arith.index_cast %mul3A_94 : i32 to index
        %swap3A_236 = tpu.vector_load %arg11[%swap3A_234, %swap3A_235] {strides = array<i32>} : memref<8x1024xf32, #tpu.memory_space<vmem>>, vector<1x16xf32>,
        %swap3A_237 = vector.shape_cast %swap3A_236 : vector<1x16xf32> to vector<16xf32>
        %swap3A_238 = vector.shape_cast %add3A_232 : vector<16xf32> to vector<1x16xf32>
        tpu.vector_store %arg11[%swap3A_234, %swap3A_235], %swap3A_238 {strides = array<i32>} : memref<8x1024xf32, #tpu.memory_space<vmem>>, vector<1x16xf32>,
        %get3A_239 = arith.constant 20 : i32
        %get3A_240 = arith.index_cast %get3A_239 : i32 to index
        %get3A_241 = arith.index_cast %mul3A_94 : i32 to index
        %get3A_242 = tpu.vector_load %arg9[%get3A_240, %get3A_241] {strides = array<i32>} : memref<32x1024xf32, #tpu.memory_space<vmem>>, vector<1x16xf32>,
        %get3A_243 = vector.shape_cast %get3A_242 : vector<1x16xf32> to vector<16xf32>
        %get3A_244 = arith.constant 21 : i32
        %get3A_245 = arith.index_cast %get3A_244 : i32 to index
        %get3A_246 = arith.index_cast %mul3A_94 : i32 to index
        %get3A_247 = tpu.vector_load %arg9[%get3A_245, %get3A_246] {strides = array<i32>} : memref<32x1024xf32, #tpu.memory_space<vmem>>, vector<1x16xf32>,
        %get3A_248 = vector.shape_cast %get3A_247 : vector<1x16xf32> to vector<16xf32>
        %add3A_249 = arith.addf %get3A_243, %get3A_248 : vector<16xf32>
        %get3A_250 = arith.constant 22 : i32
        %get3A_251 = arith.index_cast %get3A_250 : i32 to index
        %get3A_252 = arith.index_cast %mul3A_94 : i32 to index
        %get3A_253 = tpu.vector_load %arg9[%get3A_251, %get3A_252] {strides = array<i32>} : memref<32x1024xf32, #tpu.memory_space<vmem>>, vector<1x16xf32>,
        %get3A_254 = vector.shape_cast %get3A_253 : vector<1x16xf32> to vector<16xf32>
        %add3A_255 = arith.addf %add3A_249, %get3A_254 : vector<16xf32>
        %get3A_256 = arith.constant 23 : i32
        %get3A_257 = arith.index_cast %get3A_256 : i32 to index
        %get3A_258 = arith.index_cast %mul3A_94 : i32 to index
        %get3A_259 = tpu.vector_load %arg9[%get3A_257, %get3A_258] {strides = array<i32>} : memref<32x1024xf32, #tpu.memory_space<vmem>>, vector<1x16xf32>,
        %get3A_260 = vector.shape_cast %get3A_259 : vector<1x16xf32> to vector<16xf32>
        %add3A_261 = arith.addf %add3A_255, %get3A_260 : vector<16xf32>
        %swap3A_262 = arith.constant 5 : i32
        %swap3A_263 = arith.index_cast %swap3A_262 : i32 to index
        %swap3A_264 = arith.index_cast %mul3A_94 : i32 to index
        %swap3A_265 = tpu.vector_load %arg11[%swap3A_263, %swap3A_264] {strides = array<i32>} : memref<8x1024xf32, #tpu.memory_space<vmem>>, vector<1x16xf32>,
        %swap3A_266 = vector.shape_cast %swap3A_265 : vector<1x16xf32> to vector<16xf32>
        %swap3A_267 = vector.shape_cast %add3A_261 : vector<16xf32> to vector<1x16xf32>
        tpu.vector_store %arg11[%swap3A_263, %swap3A_264], %swap3A_267 {strides = array<i32>} : memref<8x1024xf32, #tpu.memory_space<vmem>>, vector<1x16xf32>,
        %get3A_268 = arith.constant 24 : i32
        %get3A_269 = arith.index_cast %get3A_268 : i32 to index
        %get3A_270 = arith.index_cast %mul3A_94 : i32 to index
        %get3A_271 = tpu.vector_load %arg9[%get3A_269, %get3A_270] {strides = array<i32>} : memref<32x1024xf32, #tpu.memory_space<vmem>>, vector<1x16xf32>,
        %get3A_272 = vector.shape_cast %get3A_271 : vector<1x16xf32> to vector<16xf32>
        %get3A_273 = arith.constant 25 : i32
        %get3A_274 = arith.index_cast %get3A_273 : i32 to index
        %get3A_275 = arith.index_cast %mul3A_94 : i32 to index
        %get3A_276 = tpu.vector_load %arg9[%get3A_274, %get3A_275] {strides = array<i32>} : memref<32x1024xf32, #tpu.memory_space<vmem>>, vector<1x16xf32>,
        %get3A_277 = vector.shape_cast %get3A_276 : vector<1x16xf32> to vector<16xf32>
        %add3A_278 = arith.addf %get3A_272, %get3A_277 : vector<16xf32>
        %get3A_279 = arith.constant 26 : i32
        %get3A_280 = arith.index_cast %get3A_279 : i32 to index
        %get3A_281 = arith.index_cast %mul3A_94 : i32 to index
        %get3A_282 = tpu.vector_load %arg9[%get3A_280, %get3A_281] {strides = array<i32>} : memref<32x1024xf32, #tpu.memory_space<vmem>>, vector<1x16xf32>,
        %get3A_283 = vector.shape_cast %get3A_282 : vector<1x16xf32> to vector<16xf32>
        %add3A_284 = arith.addf %add3A_278, %get3A_283 : vector<16xf32>
        %get3A_285 = arith.constant 27 : i32
        %get3A_286 = arith.index_cast %get3A_285 : i32 to index
        %get3A_287 = arith.index_cast %mul3A_94 : i32 to index
        %get3A_288 = tpu.vector_load %arg9[%get3A_286, %get3A_287] {strides = array<i32>} : memref<32x1024xf32, #tpu.memory_space<vmem>>, vector<1x16xf32>,
        %get3A_289 = vector.shape_cast %get3A_288 : vector<1x16xf32> to vector<16xf32>
        %add3A_290 = arith.addf %add3A_284, %get3A_289 : vector<16xf32>
        %swap3A_291 = arith.constant 6 : i32
        %swap3A_292 = arith.index_cast %swap3A_291 : i32 to index
        %swap3A_293 = arith.index_cast %mul3A_94 : i32 to index
        %swap3A_294 = tpu.vector_load %arg11[%swap3A_292, %swap3A_293] {strides = array<i32>} : memref<8x1024xf32, #tpu.memory_space<vmem>>, vector<1x16xf32>,
        %swap3A_295 = vector.shape_cast %swap3A_294 : vector<1x16xf32> to vector<16xf32>
        %swap3A_296 = vector.shape_cast %add3A_290 : vector<16xf32> to vector<1x16xf32>
        tpu.vector_store %arg11[%swap3A_292, %swap3A_293], %swap3A_296 {strides = array<i32>} : memref<8x1024xf32, #tpu.memory_space<vmem>>, vector<1x16xf32>,
        %get3A_297 = arith.constant 28 : i32
        %get3A_298 = arith.index_cast %get3A_297 : i32 to index
        %get3A_299 = arith.index_cast %mul3A_94 : i32 to index
        %get3A_300 = tpu.vector_load %arg9[%get3A_298, %get3A_299] {strides = array<i32>} : memref<32x1024xf32, #tpu.memory_space<vmem>>, vector<1x16xf32>,
        %get3A_301 = vector.shape_cast %get3A_300 : vector<1x16xf32> to vector<16xf32>
        %get3A_302 = arith.constant 29 : i32
        %get3A_303 = arith.index_cast %get3A_302 : i32 to index
        %get3A_304 = arith.index_cast %mul3A_94 : i32 to index
        %get3A_305 = tpu.vector_load %arg9[%get3A_303, %get3A_304] {strides = array<i32>} : memref<32x1024xf32, #tpu.memory_space<vmem>>, vector<1x16xf32>,
        %get3A_306 = vector.shape_cast %get3A_305 : vector<1x16xf32> to vector<16xf32>
        %add3A_307 = arith.addf %get3A_301, %get3A_306 : vector<16xf32>
        %get3A_308 = arith.constant 30 : i32
        %get3A_309 = arith.index_cast %get3A_308 : i32 to index
        %get3A_310 = arith.index_cast %mul3A_94 : i32 to index
        %get3A_311 = tpu.vector_load %arg9[%get3A_309, %get3A_310] {strides = array<i32>} : memref<32x1024xf32, #tpu.memory_space<vmem>>, vector<1x16xf32>,
        %get3A_312 = vector.shape_cast %get3A_311 : vector<1x16xf32> to vector<16xf32>
        %add3A_313 = arith.addf %add3A_307, %get3A_312 : vector<16xf32>
        %get3A_314 = arith.constant 31 : i32
        %get3A_315 = arith.index_cast %get3A_314 : i32 to index
        %get3A_316 = arith.index_cast %mul3A_94 : i32 to index
        %get3A_317 = tpu.vector_load %arg9[%get3A_315, %get3A_316] {strides = array<i32>} : memref<32x1024xf32, #tpu.memory_space<vmem>>, vector<1x16xf32>,
        %get3A_318 = vector.shape_cast %get3A_317 : vector<1x16xf32> to vector<16xf32>
        %add3A_319 = arith.addf %add3A_313, %get3A_318 : vector<16xf32>
        %swap3A_320 = arith.constant 7 : i32
        %swap3A_321 = arith.index_cast %swap3A_320 : i32 to index
        %swap3A_322 = arith.index_cast %mul3A_94 : i32 to index
        %swap3A_323 = tpu.vector_load %arg11[%swap3A_321, %swap3A_322] {strides = array<i32>} : memref<8x1024xf32, #tpu.memory_space<vmem>>, vector<1x16xf32>,
        %swap3A_324 = vector.shape_cast %swap3A_323 : vector<1x16xf32> to vector<16xf32>
        %swap3A_325 = vector.shape_cast %add3A_319 : vector<16xf32> to vector<1x16xf32>
        tpu.vector_store %arg11[%swap3A_321, %swap3A_322], %swap3A_325 {strides = array<i32>} : memref<8x1024xf32, #tpu.memory_space<vmem>>, vector<1x16xf32>,
      }
      %scan3A_84 = arith.constant 64 : i32
      %mul3A_85 = arith.constant 8 : i32
      %mul3A_86 = arith.muli %add3A_61, %mul3A_85 : i32
      %add3A_87 = arith.addi %mul3A_2, %mul3A_86 : i32
      %dma_start3A_88 = arith.constant 0 : i32
      %dma_start3A_89 = tpu.memref_slice %arg5[%add3A_87, %dma_start3A_88] : memref<8192x1024xf32, #tpu.memory_space<hbm>> -> memref<8x1024xf32, #tpu.memory_space<hbm>>
      %dma_start3A_90 = arith.constant 0 : i32
      %dma_start3A_91 = tpu.memref_slice %arg5[%add3A_87, %dma_start3A_90] : memref<8192x1024xf32, #tpu.memory_space<hbm>> -> memref<8x1024xf32, #tpu.memory_space<hbm>>
      tpu.enqueue_dma source(%arg11 : memref<8x1024xf32, #tpu.memory_space<vmem>>) target(%dma_start3A_91 : memref<8x1024xf32, #tpu.memory_space<hbm>>) target_semaphore(%arg16 : memref<!tpu.dma_semaphore, #tpu.memory_space<semaphore_mem>>)
    }
    %scan3A_21 = arith.constant 16 : i32
    %dma_wait3A = arith.constant 0 : i32
    %dma_wait3A_22 = tpu.memref_slice %arg5[%mul3A_2, %dma_wait3A] : memref<8192x1024xf32, #tpu.memory_space<hbm>> -> memref<8x1024xf32, #tpu.memory_space<hbm>>
    %dma_wait3A_23 = arith.constant 0 : i32
    %dma_wait3A_24 = tpu.memref_slice %arg5[%mul3A_2, %dma_wait3A_23] : memref<8192x1024xf32, #tpu.memory_space<hbm>> -> memref<8x1024xf32, #tpu.memory_space<hbm>>
    tpu.wait_dma2 semaphore(%arg15 : memref<!tpu.dma_semaphore, #tpu.memory_space<semaphore_mem>>) src(%arg10 : memref<8x1024xf32, #tpu.memory_space<vmem>>) dst(%dma_wait3A_24 : memref<8x1024xf32, #tpu.memory_space<hbm>>)
    %dma_wait3A_25 = arith.constant 0 : i32
    %dma_wait3A_26 = tpu.memref_slice %arg5[%mul3A_2, %dma_wait3A_25] : memref<8192x1024xf32, #tpu.memory_space<hbm>> -> memref<8x1024xf32, #tpu.memory_space<hbm>>
    %dma_wait3A_27 = arith.constant 0 : i32
    %dma_wait3A_28 = tpu.memref_slice %arg5[%mul3A_2, %dma_wait3A_27] : memref<8192x1024xf32, #tpu.memory_space<hbm>> -> memref<8x1024xf32, #tpu.memory_space<hbm>>
    tpu.wait_dma2 semaphore(%arg16 : memref<!tpu.dma_semaphore, #tpu.memory_space<semaphore_mem>>) src(%arg11 : memref<8x1024xf32, #tpu.memory_space<vmem>>) dst(%dma_wait3A_28 : memref<8x1024xf32, #tpu.memory_space<hbm>>)
    return
  }
}

module attributes {stable_mosaic.version = 14 : i64} {
  func.func @_fuse_body(%arg0: memref<128x128xf32, #tpu.memory_space<vmem>>, %arg1: memref<1024x128xf32, #tpu.memory_space<vmem>>, %arg2: memref<512x128xf32, #tpu.memory_space<vmem>>, %arg3: memref<128x128xf32, #tpu.memory_space<vmem>>, %arg4: memref<512x1024xf32, #tpu.memory_space<vmem>>, %arg5: memref<1024xf32, #tpu.memory_space<vmem>>, %arg6: memref<1792x1024xf32, #tpu.memory_space<vmem>>) attributes {dimension_semantics = [], scalar_prefetch = 0 : i64, scratch_operands = 0 : i64, tpu.core_type = #tpu.core_type<tc>} {
    %get3A = arith.constant 0 : index
    %get3A_0 = vector.load %arg5[%get3A] : memref<1024xf32, #tpu.memory_space<vmem>>, vector<1024xf32>
    %get3A_1 = arith.constant 0 : index
    %get3A_2 = arith.constant 0 : index
    %get3A_3 = vector.load %arg0[%get3A_1, %get3A_2] : memref<128x128xf32, #tpu.memory_space<vmem>>, vector<128x128xf32>
    %get3A_4 = arith.constant 0 : index
    %get3A_5 = arith.constant 0 : index
    %get3A_6 = vector.load %arg4[%get3A_4, %get3A_5] : memref<512x1024xf32, #tpu.memory_space<vmem>>, vector<128x1024xf32>
    %dot_general3A = arith.constant dense<0.000000e+00> : vector<128x1024xf32>
    %dot_general3A_7 = tpu.matmul %get3A_3, %get3A_6, %dot_general3A {dimension_numbers = #tpu.dot_dimension_numbers<[1], [0], [0], [1], [0, 0, 1, 1], [], []>, precision = #tpu.contract_precision<fp32>, transpose_lhs_hint = false} : vector<128x128xf32>, vector<128x1024xf32>, vector<128x1024xf32> -> vector<128x1024xf32>
    %broadcast_in_dim3A = vector.shape_cast %get3A_0 : vector<1024xf32> to vector<1x1024xf32>
    %add3A = vector.broadcast %broadcast_in_dim3A : vector<1x1024xf32> to vector<128x1024xf32>
    %add3A_8 = arith.addf %dot_general3A_7, %add3A : vector<128x1024xf32>
    %swap3A = arith.constant 0 : index
    %swap3A_9 = arith.constant 0 : index
    %swap3A_10 = vector.load %arg6[%swap3A, %swap3A_9] : memref<1792x1024xf32, #tpu.memory_space<vmem>>, vector<128x1024xf32>
    tpu.vector_store %arg6[%swap3A, %swap3A_9], %add3A_8 {strides = array<i32>} : memref<1792x1024xf32, #tpu.memory_space<vmem>>, vector<128x1024xf32>,
    %get3A_11 = arith.constant 0 : index
    %get3A_12 = arith.constant 0 : index
    %get3A_13 = vector.load %arg1[%get3A_11, %get3A_12] : memref<1024x128xf32, #tpu.memory_space<vmem>>, vector<1024x128xf32>
    %get3A_14 = arith.constant 128 : index
    %get3A_15 = arith.constant 0 : index
    %get3A_16 = vector.load %arg4[%get3A_14, %get3A_15] : memref<512x1024xf32, #tpu.memory_space<vmem>>, vector<128x1024xf32>
    %dot_general3A_17 = arith.constant dense<0.000000e+00> : vector<1024x1024xf32>
    %dot_general3A_18 = tpu.matmul %get3A_13, %get3A_16, %dot_general3A_17 {dimension_numbers = #tpu.dot_dimension_numbers<[1], [0], [0], [1], [0, 0, 1, 1], [], []>, precision = #tpu.contract_precision<fp32>, transpose_lhs_hint = false} : vector<1024x128xf32>, vector<128x1024xf32>, vector<1024x1024xf32> -> vector<1024x1024xf32>
    %swap3A_19 = arith.constant 128 : index
    %swap3A_20 = arith.constant 0 : index
    %swap3A_21 = vector.load %arg6[%swap3A_19, %swap3A_20] : memref<1792x1024xf32, #tpu.memory_space<vmem>>, vector<1024x1024xf32>
    tpu.vector_store %arg6[%swap3A_19, %swap3A_20], %dot_general3A_18 {strides = array<i32>} : memref<1792x1024xf32, #tpu.memory_space<vmem>>, vector<1024x1024xf32>,
    %get3A_22 = arith.constant 0 : index
    %get3A_23 = arith.constant 0 : index
    %get3A_24 = vector.load %arg2[%get3A_22, %get3A_23] : memref<512x128xf32, #tpu.memory_space<vmem>>, vector<512x128xf32>
    %get3A_25 = arith.constant 256 : index
    %get3A_26 = arith.constant 0 : index
    %get3A_27 = vector.load %arg4[%get3A_25, %get3A_26] : memref<512x1024xf32, #tpu.memory_space<vmem>>, vector<128x1024xf32>
    %dot_general3A_28 = arith.constant dense<0.000000e+00> : vector<512x1024xf32>
    %dot_general3A_29 = tpu.matmul %get3A_24, %get3A_27, %dot_general3A_28 {dimension_numbers = #tpu.dot_dimension_numbers<[1], [0], [0], [1], [0, 0, 1, 1], [], []>, precision = #tpu.contract_precision<fp32>, transpose_lhs_hint = false} : vector<512x128xf32>, vector<128x1024xf32>, vector<512x1024xf32> -> vector<512x1024xf32>
    %swap3A_30 = arith.constant 1152 : index
    %swap3A_31 = arith.constant 0 : index
    %swap3A_32 = vector.load %arg6[%swap3A_30, %swap3A_31] : memref<1792x1024xf32, #tpu.memory_space<vmem>>, vector<512x1024xf32>
    tpu.vector_store %arg6[%swap3A_30, %swap3A_31], %dot_general3A_29 {strides = array<i32>} : memref<1792x1024xf32, #tpu.memory_space<vmem>>, vector<512x1024xf32>,
    %get3A_33 = arith.constant 0 : index
    %get3A_34 = arith.constant 0 : index
    %get3A_35 = vector.load %arg3[%get3A_33, %get3A_34] : memref<128x128xf32, #tpu.memory_space<vmem>>, vector<128x128xf32>
    %get3A_36 = arith.constant 384 : index
    %get3A_37 = arith.constant 0 : index
    %get3A_38 = vector.load %arg4[%get3A_36, %get3A_37] : memref<512x1024xf32, #tpu.memory_space<vmem>>, vector<128x1024xf32>
    %dot_general3A_39 = arith.constant dense<0.000000e+00> : vector<128x1024xf32>
    %dot_general3A_40 = tpu.matmul %get3A_35, %get3A_38, %dot_general3A_39 {dimension_numbers = #tpu.dot_dimension_numbers<[1], [0], [0], [1], [0, 0, 1, 1], [], []>, precision = #tpu.contract_precision<fp32>, transpose_lhs_hint = false} : vector<128x128xf32>, vector<128x1024xf32>, vector<128x1024xf32> -> vector<128x1024xf32>
    %swap3A_41 = arith.constant 1664 : index
    %swap3A_42 = arith.constant 0 : index
    %swap3A_43 = vector.load %arg6[%swap3A_41, %swap3A_42] : memref<1792x1024xf32, #tpu.memory_space<vmem>>, vector<128x1024xf32>
    tpu.vector_store %arg6[%swap3A_41, %swap3A_42], %dot_general3A_40 {strides = array<i32>} : memref<1792x1024xf32, #tpu.memory_space<vmem>>, vector<128x1024xf32>,
    return
  }
}

</mosaic_0001>

<sc_bundles>
// kernel: kernel.4.cloned.1.call-start
scs
__scs_entry_jumppad:
0x0: {  	(pc) =	sbr.rel $0x88, $3  }
0x1: {  	(tag) =	ssettag $0x0;
	lr =	simm.s32 $0x1  }
0x2: {  	[smem:$0x3F9A] =	sst lr;
	_ =	strace $0xD0000000  }
0x3: {  	_ = 	snop  }
0x4: {  	_ = 	snop  }
0x5: {  	_ = 	snop  }
0x6: {  	_ = 	snop  }
0x7: {  	_ = 	snop  }
__scs_overlays_trampoline_lowered:
0x8: {  	[smem:$0x3FA9] =	sst s0  }
0x9: {  	[smem:$0x3FAA] =	sst s1  }
0xa: {  	[smem:$0x3FAB] =	sst s2  }
0xb: {  	[smem:$0x3FAC] =	sst s3  }
0xc: {  	[smem:$0x3FAD] =	sst s4  }
0xd: {  	[smem:$0x3FAE] =	sst s5  }
0xe: {  	[smem:$0x3FAF] =	sst s6  }
0xf: {  	[smem:$0x3FB0] =	sst s7  }
0x10: {  	[smem:$0x3FB1] =	sst s8  }
0x11: {  	[smem:$0x3FB2] =	sst s9;
	s0 =	simm.s32 @!p0 $0x0  }
0x12: {  	s1 =	sld [smem:$0x3F98];
	s0 =	simm.s32 @p0 $0x1  }
0x13: {  	[smem:$0x3FB3] =	sst s0;
	s0 =	simm.s32 @!p1 $0x0  }
0x14: {  	s2 =	sld [smem:$0x3F97];
	s0 =	simm.s32 @p1 $0x1  }
0x15: {  	[smem:$0x3FB4] =	sst s0;
	s0 =	simm.s32 @!p2 $0x0  }
0x16: {  	s3 =	sld [smem:$0x3FDB];
	s0 =	simm.s32 @p2 $0x1  }
0x17: {  	s4 =	simm.s32 $0x1BF5;
	[smem:$0x3FB6] =	sst s0  }
0x18: {  	s0 =	sld [smem:$0x3F99];
	_ =	swait.ge [sflag:s4], $0x0  }
0x19: {  	s7 =	sld [smem:$0x3F9A]  }
0x1a: {  	s8 =	sadd.s32 $0xFFFFE003, lr  }
0x1b: {  	s9 =	sadd.s32 $0xFFFFFEF7, lr;
	s5 =	simm.s32 $0xFFFFFFFF;
	p2 =	slt.u32 s8, $0xFFFFF086  }
0x1c: {  	p1 =	slt.u32 s9, $0xF7A;
	s5 =	simm.s32 @!p2 $0x0  }
0x1d: {  	s5 =	simm.s32 @p1 $0x1;
	p0 =	seq.s32 s7, s2  }
0x1e: {  	s7 =	smul.u32 @!p0 $0xF7A, s2;
	p2 =	seq.s32 @!p0 s5, $0x0  }
0x1f: {  	s9 =	smul.u32 $0xF7A, s1;
	s8 =	simm.s32 @!p0 $0x1BF5;
	p2 =	por !p2, p0  }
0x20: {  	[sflag:s8] =	ssyncset.s32 @!p0 $0xFFFFF086;
	s6 =	sadd.s32 @!p0 s3, s7;
	s7 =	simm.s32 @!p0 $0x108  }
0x21: {  	s3 =	sadd.s32 s3, s9;
	s6 =	sadd.s32 @!p0 $0x88, s6;
	s7 =	simm.s32 @p2 $0x1082  }
0x22: {  	[simem:s7], [sflag:s8] =	dma.local @!p0 [hbm:s6], $0xF7A  }
0x23: {  	s9 =	sor.u32 $0xD0000000, s2;
	s6 =	simm.s32 $0x108;
	_ =	swait.ge @!p0 [sflag:s8], $0x0  }
0x24: {  	s3 =	sadd.s32 $0x88, s3;
	s6 =	simm.s32 @!p1 $0x1082;
	[sflag:s4] =	ssyncset.s32 $0xFFFFF086  }
0x25: {  	[simem:s6], [sflag:s4] =	dma.local [hbm:s3], $0xF7A  }
0x26: {  	[smem:$0x3F9A] =	sst s1;
	(tag) =	ssettag s2;
	_ =	strace s9  }
0x27: {  	s1 =	sld [smem:$0x3FAA]  }
0x28: {  	s2 =	sld [smem:$0x3FAB]  }
0x29: {  	s4 =	sld [smem:$0x3FAD]  }
0x2a: {  	p0 =	seq.s32 s5, $0x0;
	s5 =	sld [smem:$0x3FAE]  }
0x2b: {  	s6 =	sld [smem:$0x3FAF]  }
0x2c: {  	s7 =	sld [smem:$0x3FB0]  }
0x2d: {  	s3 =	simm.s32 $0x108;
	s8 =	sld [smem:$0x3FB1]  }
0x2e: {  	s3 =	simm.s32 @!p0 $0x1082;
	s9 =	sld [smem:$0x3FB2]  }
0x2f: {  	lr =	sadd.s32 s0, s3;
	s0 =	sld [smem:$0x3FA9]  }
0x30: {  	s3 =	sld [smem:$0x3FAC]  }
0x31: {  	[smem:$0x3FB5] =	sst s10  }
0x32: {  	s10 =	sld [smem:$0x3FB3];
	_ =	sdelay $0x3  }
0x33: {  	p0 =	seq.s32 s10, $0x1;
	s10 =	sld [smem:$0x3FB5];
	_ =	sdelay $0x3  }
0x34: {  	[smem:$0x3FB5] =	sst s10  }
0x35: {  	s10 =	sld [smem:$0x3FB4];
	_ =	sdelay $0x3  }
0x36: {  	p1 =	seq.s32 s10, $0x1;
	s10 =	sld [smem:$0x3FB5];
	_ =	sdelay $0x3  }
0x37: {  	[smem:$0x3FB5] =	sst s10  }
0x38: {  	s10 =	sld [smem:$0x3FB6]  }
0x39: {  	_ = 	snop;
	(pc) =	sbr.ind lr, $3  }
0x3a: {  	_ = 	snop  }
0x3b: {  	_ = 	snop  }
0x3c: {  	p2 =	seq.s32 s10, $0x1;
	s10 =	sld [smem:$0x3FB5]  }
0x3d: {  	_ =	shalt  }
0x3e: {  	_ =	shalt  }
0x3f: {  	_ =	shalt  }
0x40: {  	_ =	shalt  }
0x41: {  	_ =	shalt  }
0x42: {  	_ =	shalt  }
0x43: {  	_ =	shalt  }
0x44: {  	_ =	shalt  }
0x45: {  	_ =	shalt  }
0x46: {  	_ =	shalt  }
0x47: {  	_ =	shalt  }
0x48: {  	_ =	shalt  }
0x49: {  	_ =	shalt  }
0x4a: {  	_ =	shalt  }
0x4b: {  	_ =	shalt  }
0x4c: {  	_ =	shalt  }
0x4d: {  	_ =	shalt  }
0x4e: {  	_ =	shalt  }
0x4f: {  	_ =	shalt  }
0x50: {  	_ =	shalt  }
0x51: {  	_ =	shalt  }
0x52: {  	_ =	shalt  }
0x53: {  	_ =	shalt  }
0x54: {  	_ =	shalt  }
0x55: {  	_ =	shalt  }
0x56: {  	_ =	shalt  }
0x57: {  	_ =	shalt  }
0x58: {  	_ =	shalt  }
0x59: {  	_ =	shalt  }
0x5a: {  	_ =	shalt  }
0x5b: {  	_ =	shalt  }
0x5c: {  	_ =	shalt  }
0x5d: {  	_ =	shalt  }
0x5e: {  	_ =	shalt  }
0x5f: {  	_ =	shalt  }
0x60: {  	_ =	shalt  }
0x61: {  	_ =	shalt  }
0x62: {  	_ =	shalt  }
0x63: {  	_ =	shalt  }
0x64: {  	_ =	shalt  }
0x65: {  	_ =	shalt  }
0x66: {  	_ =	shalt  }
0x67: {  	_ =	shalt  }
0x68: {  	_ =	shalt  }
0x69: {  	_ =	shalt  }
0x6a: {  	_ =	shalt  }
0x6b: {  	_ =	shalt  }
0x6c: {  	_ =	shalt  }
0x6d: {  	_ =	shalt  }
0x6e: {  	_ =	shalt  }
0x6f: {  	_ =	shalt  }
0x70: {  	_ =	shalt  }
0x71: {  	_ =	shalt  }
0x72: {  	_ =	shalt  }
0x73: {  	_ =	shalt  }
0x74: {  	_ =	shalt  }
0x75: {  	_ =	shalt  }
0x76: {  	_ =	shalt  }
0x77: {  	_ =	shalt  }
0x78: {  	_ =	shalt  }
0x79: {  	_ =	shalt  }
0x7a: {  	_ =	shalt  }
0x7b: {  	_ =	shalt  }
0x7c: {  	_ =	shalt  }
0x7d: {  	_ =	shalt  }
0x7e: {  	_ =	shalt  }
0x7f: {  	_ =	shalt  }
0x80: {  	_ =	shalt  }
0x81: {  	_ =	shalt  }
0x82: {  	_ =	shalt  }
0x83: {  	_ =	shalt  }
0x84: {  	_ =	shalt  }
0x85: {  	_ =	shalt  }
0x86: {  	_ =	shalt  }
0x87: {  	_ =	shalt  }
.Lfunc_end0:
.L_simem_size_0:
called_computation_lowered:
.L_overlay_start_0:
0x88: {  	s2 =	sld [smem:$0x3FD9]  }
0x89: {  	s3 =	sld [smem:$0x3FFE];
	_ =	sdelay $0x1  }
0x8a: {  	s1 =	srdreg.scid  }
0x8b: {  	s0 =	sand.u32 $0x1, s1  }
0x8c: {  	s17 =	sshll.u32 s0, $0xA;
	s2 =	sadd.s32 s3, s2  }
0x8d: {  	s2 =	sadd.s32 s2, s17  }
0x8e: {  	[smem:$0x3FC1] =	sst s2  }
0x8f: {  	_ = 	snop  }
0x90: {  	s2 =	sld [smem:$0x3FD0];
	(tm) =	ssettm $0x1  }
0x91: {  	s18 =	sld [smem:$0x3FFB];
	_ =	sdelay $0x3  }
0x92: {  	_ =	strace s18  }
0x93: {  	s3 =	sld [smem:$0x3FFC];
	_ =	sdelay $0x3  }
0x94: {  	_ =	strace s3  }
0x95: {  	s3 =	sld [smem:$0x3FFD];
	_ =	sdelay $0x3  }
0x96: {  	_ =	strace s3  }
0x97: {  	_ =	strace $0x8FFFFFFF  }
0x98: {  	s19 =	sld [smem:$0x3FDB];
	_ =	sdelay $0x1  }
0x99: {  	s4 =	simm.s32 $_scs_section_size  }
0x9a: {  	s5 =	simm.s32 $_size__tile_overlayer_lowered;
	s6 =	simm.s32 $_tile_overlayer_lowered  }
0x9b: {  	s22 =	simm.s32 $0x1BFF;
	s21 =	sshll.u32 s6, $0x1;
	s3 =	sadd.s32 s4, s19  }
0x9c: {  	s7 =	simm.s32 $0x0;
	s20 =	sshll.u32 s5, $0x1;
	s5 =	sadd.s32 s21, s3  }
0x9d: {  	[timem:s7], [sflag:s22] =	dma.local [hbm:s5], s20  }
0x9e: {  	_ =	swait.ge [sflag:s22], s20  }
0x9f: {  	s4 =	ssub.s32 $0x0, s20;
	[sflag:s22] =	ssyncset.done $0x0  }
0xa0: {  	[sflag:s22] =	ssyncadd.s32 s4;
	_ =	sdelay $0x1  }
0xa1: {  	s23 =	simm.s32 $0x1B8B  }
0xa2: {  	_ =	swait.ge [sflag:s23], $0x1  }
0xa3: {  	[sflag:s23] =	ssyncset.done $0x0  }
0xa4: {  	s25 =	simm.s32 $0x1B8E;
	s24 =	sld [smem:$0x3FFE];
	[sflag:s23] =	ssyncadd.s32 $0xFFFFFFFF  }
0xa5: {  	s26 =	simm.s32 $execute0_lowered;
	[smem:$0x3FD2] =	sst s25  }
0xa6: {  	s5 =	sshll.u32 s26, $0x1;
	_ =	strace $0x80000046;
	[dreg:$0x1] =	wrdreg $0xFFFFFFFF  }
0xa7: {  	s28 =	simm.s32 $_size_execute0_lowered;
	s3 =	sadd.s32 s3, s5;
	[dreg:$0x0] =	wrdreg $0x0  }
0xa8: {  	s5 =	sshll.u32 s28, $0x1;
	[dreg:$0x2] =	wrdreg s3  }
0xa9: {  	[dreg:$0x3] =	wrdreg s5  }
0xaa: {  	[dreg:$0x4] =	wrdreg $0xC0  }
0xab: {  	_ =	task [dreg:s7], $0x5FFFF  }
0xac: {  	[dreg:$0x1] =	wrdreg $0xFFFFFFFF  }
0xad: {  	[dreg:$0x0] =	wrdreg $0x60  }
0xae: {  	[dreg:$0x2] =	wrdreg s24  }
0xaf: {  	[dreg:$0x3] =	wrdreg s2  }
0xb0: {  	[dreg:$0x4] =	wrdreg $0x9  }
0xb1: {  	_ =	task.clear_ibuf [dreg:s7], $0x5FFFF;
	_ =	strace $0x90000046  }
0xb2: {  	s29 =	simm.s32 $0x9;
	_ =	strace $0x80000048  }
0xb3: {  	_ =	swait.ge [sflag:s29], $0x1  }
0xb4: {  	[sflag:s29] =	ssyncadd.s32 $0xFFFFFFFF  }
0xb5: {  	_ =	strace $0x90000048  }
0xb6: {  	_ =	sfence  }
0xb7: {  	s30 =	sld [smem:$0x0];
	_ =	sdelay $0x2  }
0xb8: {  	s31 =	sshll.u32 s1, $0xD;
	s1 =	sshrl.u32 s1, $0x2  }
0xb9: {  	s3 =	sand.u32 $0x4000, s31;
	s1 =	sadd.s32 s1, s30  }
0xba: {  	s0 =	sor.u32 s3, s0;
	s1 =	sshll.u32 s1, $0x11  }
0xbb: {  	s0 =	sor.u32 s1, s0  }
0xbc: {  	s0 =	sadd.s32 $0x8F2B, s0  }
0xbd: {  	[sflag:s0] =	ssyncadd.remote.s32 $0x1  }
0xbe: {  	_ =	sfence.sel $0xFFFF  }
0xbf: {  	[dreg:$0x0] =	wrdreg $0xFFFFFFFF;
	(pc) =	sbr.abs _section_cstart, $3  }
0xc0: {  	[dreg:$0x1] =	wrdreg $0xFFFFFFFF  }
0xc1: {  	_ =	task.clear_ibuf [dreg:s7], $0x2FFFF;
	_ =	strace $0x9FFFFFFF  }
0xc2: {  	(tm) =	ssettm $0x7FFFFFFF  }
0xc3: {  	_ =	shalt  }
tec
execute0_lowered:
.L_overlay_start_1:
0x0: {  	(tag) =	ssettag $0x1  }
0x1: {  	s0 =	rddreg [dreg:$0x0]  }
0x2: {  	s1 =	rddreg [dreg:$0x1];
	s2 =	simm.s32 $0x0  }
0x3: {  	s3 =	srdreg.scid;
	s4 =	stileid.u32;
	s30 =	simm.s32 $0x1  }
0x4: {  	s17 =	simm.s32 $0xC800;
	s18 =	simm.s32 $0xD000;
	s19 =	simm.s32 $0xD800  }
0x5: {  	s20 =	simm.s32 $0xE000;
	s21 =	simm.s32 $0xE800;
	s22 =	simm.s32 $0xF000  }
0x6: {  	s23 =	simm.s32 $0xF800;
	s24 =	simm.s32 $0x10000;
	s25 =	simm.s32 $0x10800  }
0x7: {  	s26 =	simm.s32 $0x2;
	s28 =	simm.s32 $0x12800;
	s10 =	simm.s32 $0x0  }
0x8: {  	[smem:$0x7FF] =	sst s2;
	s3 =	sand.u32 $0x1, s3;
	s4 =	sshll.u32 s4, $0x1  }
0x9: {  	s8 =	sadd.s32 $0x3A400, s0;
	_ =	strace $0x80000047;
	s4 =	sor.u32 s3, s4  }
0xa: {  	s5 =	ssub.s32 $0x2, s3;
	s3 =	sadd.s32 $0x2400, s0;
	[dreg:$0x3] =	wrdreg s8  }
0xb: {  	s8 =	sadd.s32 $0x2700, s0;
	s6 =	sshll.u32 s4, $0x7;
	s7 =	sshrl.u32 s5, $0x1  }
0xc: {  	s4 =	sshll.u32 s4, $0xF;
	s6 =	sadd.s32 s6, s0;
	s5 =	ssub.s32 s5, s7  }
0xd: {  	v2 =	vlaneseq.u32;
	s7 =	sadd.s32 $0x2600, s0;
	s9 =	sadd.s32 s1, s4;
	s6 =	sadd.s32 $0x1400, s6  }
0xe: {  	vm0 =	vmmov $0xffff;
	v1 =	vshrl.u32 v2, $0x3;
	s4 =	simm.s32 $0x4;
	s31 =	smax.u32 s5, $0x1;
	[dreg:$0x4] =	wrdreg s6  }
0xf: {  	v0 =	vand.u32 $0x7, v2;
	v2 =	vor.u32 $0x8, v2;
	v1 =	vmul.u32 $0x8, v1;
	s1 =	simm.s32 $0x0;
	s6 =	sadd.s32 $0x2500, s0;
	[dreg:$0x5] =	wrdreg s31  }
.LBB2_1:
0x10: {  	[dreg:$0x6] =	wrdreg s1  }
0x11: {  	s0 =	rddreg [dreg:$0x4];
	s29 =	simm.s32 $0x5  }
0x12: {  	[tilespmem:s2], [sflag:$0x5] =	stream.linear.gather [hbm4b:s0+s2], $0x400, $0x38;
	[tilespmem:$0x14880] =	vst v63  }
0x13: {  	_ =	swait.ge [sflag:s29], $0x400  }
0x14: {  	[sflag:s29] =	ssyncset.done $0x0  }
0x15: {  	s5 =	simm.s32 $0x14800;
	s31 =	rddreg [dreg:$0x3];
	[sflag:s29] =	ssyncadd.s32 $0xFFFFFC00  }
0x16: {  	[tilespmem:s5], [sflag:$0x5] =	stream.linear.gather [hbm4b:s31+s2], $0x80, $0x38;
	[tilespmem:$0x14880] =	vst v63  }
0x17: {  	_ =	swait.ge [sflag:s29], $0x80  }
0x18: {  	[sflag:s29] =	ssyncset.done $0x0  }
0x19: {  	[sflag:s29] =	ssyncadd.s32 $0xFFFFFF80  }
0x1a: {  	s0 =	simm.s32 $0x0;
	v3 =	vld [tilespmem:$0x14800]  }
0x1b: {  	s1 =	simm.s32 $0x40;
	v4 =	vld [tilespmem:s0+$0x0]  }
.LBB2_2:
0x1c: {  	p0 =	sne.s32 s1, $0xFC0  }
.Ltmp0:
0x1d: {  	_ = 	snop;
	(pc) =	sbr.rel @p0 .LBB2_2-.Ltmp0, $3  }
0x1e: {  	_ =	sdelay $0x1  }
0x1f: {  	s5 =	sshra.s32 s1, $0x2;
	s1 =	sadd.s32 $0x40, s1;
	v5 =	vadd.s32 v3, v4  }
0x20: {  	v4 =	vld [tilespmem:s5+$0x0];
	[tilespmem:s0+$0x400] =	vst v5;
	s0 =	smov.u32 s5  }
0x21: {  	_ =	sdelay $0x3  }
0x22: {  	v3 =	vadd.s32 v3, v4  }
0x23: {  	[tilespmem:s0+$0x400] =	vst v3  }
0x24: {  	v3 =	vld [tilespmem:$0x400];
	_ =	sdelay $0x4  }
0x25: {  	v62 =	vshll.u32 v3, $0x3  }
0x26: {  	v3 =	vand.u32 $0x7, v3;
	v4 =	vand.u32 $0xFFFFFFC0, v62  }
0x27: {  	v3 =	vor.u32 v3, v4  }
0x28: {  	v4 =	vperm.xlane v3, v0;
	_ =	sdelay $0x1  }
0x29: {  	v4 =	vadd.s32 v1, v4;
	_ =	sdelay $0x3  }
0x2a: {  	s11 =	simm.s32 $0x800  }
0x2b: {  	[tilespmem:s11], [sflag:$0x1] =	stream.indirect_vreg.gather [hbm4b:s3+s10], $0x80, v4, vm0, $0xb8;
	[tilespmem:$0x14880] =	vst v63  }
0x2c: {  	s12 =	simm.s32 $0x1000;
	v3 =	vperm.xlane v3, v2  }
0x2d: {  	[tilespmem:s12], [sflag:$0x1] =	stream.indirect_vreg.gather [hbm4b:s6+s10], $0x80, v4, vm0, $0xb8;
	[tilespmem:$0x14880] =	vst v63  }
0x2e: {  	s13 =	simm.s32 $0x1800;
	v3 =	vadd.s32 v1, v3  }
0x2f: {  	[tilespmem:s13], [sflag:$0x1] =	stream.indirect_vreg.gather [hbm4b:s7+s10], $0x80, v4, vm0, $0xb8;
	[tilespmem:$0x14880] =	vst v63  }
0x30: {  	s14 =	simm.s32 $0x2000  }
0x31: {  	[tilespmem:s14], [sflag:$0x1] =	stream.indirect_vreg.gather [hbm4b:s8+s10], $0x80, v4, vm0, $0xb8;
	[tilespmem:$0x14880] =	vst v63  }
0x32: {  	s15 =	simm.s32 $0x2800  }
0x33: {  	[tilespmem:s15], [sflag:$0x1] =	stream.indirect_vreg.gather [hbm4b:s3+s10], $0x80, v3, vm0, $0xb8;
	[tilespmem:$0x14880] =	vst v63  }
0x34: {  	s16 =	simm.s32 $0x3000  }
0x35: {  	[tilespmem:s16], [sflag:$0x1] =	stream.indirect_vreg.gather [hbm4b:s6+s10], $0x80, v3, vm0, $0xb8;
	[tilespmem:$0x14880] =	vst v63  }
0x36: {  	s31 =	simm.s32 $0x3800  }
0x37: {  	[tilespmem:s31], [sflag:$0x1] =	stream.indirect_vreg.gather [hbm4b:s7+s10], $0x80, v3, vm0, $0xb8;
	[tilespmem:$0x14880] =	vst v63  }
0x38: {  	s1 =	simm.s32 $0x4000  }
0x39: {  	[tilespmem:s1], [sflag:$0x1] =	stream.indirect_vreg.gather [hbm4b:s8+s10], $0x80, v3, vm0, $0xb8;
	[tilespmem:$0x14880] =	vst v63  }
0x3a: {  	v3 =	vld [tilespmem:$0x410];
	_ =	sdelay $0x4  }
0x3b: {  	v63 =	vshll.u32 v3, $0x3  }
0x3c: {  	v3 =	vand.u32 $0x7, v3;
	v4 =	vand.u32 $0xFFFFFFC0, v63  }
0x3d: {  	v3 =	vor.u32 v3, v4  }
0x3e: {  	v4 =	vperm.xlane v3, v0;
	_ =	sdelay $0x1  }
0x3f: {  	v4 =	vadd.s32 v1, v4;
	_ =	sdelay $0x3  }
0x40: {  	s5 =	simm.s32 $0x4800  }
0x41: {  	[tilespmem:s5], [sflag:$0x1] =	stream.indirect_vreg.gather [hbm4b:s3+s10], $0x80, v4, vm0, $0xb8;
	[tilespmem:$0x14880] =	vst v63  }
0x42: {  	s11 =	simm.s32 $0x5000;
	v3 =	vperm.xlane v3, v2  }
0x43: {  	[tilespmem:s11], [sflag:$0x1] =	stream.indirect_vreg.gather [hbm4b:s6+s10], $0x80, v4, vm0, $0xb8;
	[tilespmem:$0x14880] =	vst v63  }
0x44: {  	s12 =	simm.s32 $0x5800;
	v3 =	vadd.s32 v1, v3  }
0x45: {  	[tilespmem:s12], [sflag:$0x1] =	stream.indirect_vreg.gather [hbm4b:s7+s10], $0x80, v4, vm0, $0xb8;
	[tilespmem:$0x14880] =	vst v63  }
0x46: {  	s13 =	simm.s32 $0x6000  }
0x47: {  	[tilespmem:s13], [sflag:$0x1] =	stream.indirect_vreg.gather [hbm4b:s8+s10], $0x80, v4, vm0, $0xb8;
	[tilespmem:$0x14880] =	vst v63  }
0x48: {  	s14 =	simm.s32 $0x6800  }
0x49: {  	[tilespmem:s14], [sflag:$0x1] =	stream.indirect_vreg.gather [hbm4b:s3+s10], $0x80, v3, vm0, $0xb8;
	[tilespmem:$0x14880] =	vst v63  }
0x4a: {  	s15 =	simm.s32 $0x7000  }
0x4b: {  	[tilespmem:s15], [sflag:$0x1] =	stream.indirect_vreg.gather [hbm4b:s6+s10], $0x80, v3, vm0, $0xb8;
	[tilespmem:$0x14880] =	vst v63  }
0x4c: {  	s16 =	simm.s32 $0x7800  }
0x4d: {  	[tilespmem:s16], [sflag:$0x1] =	stream.indirect_vreg.gather [hbm4b:s7+s10], $0x80, v3, vm0, $0xb8;
	[tilespmem:$0x14880] =	vst v63  }
0x4e: {  	s29 =	simm.s32 $0x0;
	s31 =	simm.s32 $0x8000  }
0x4f: {  	[tilespmem:s31], [sflag:$0x1] =	stream.indirect_vreg.gather [hbm4b:s8+s10], $0x80, v3, vm0, $0xb8;
	[tilespmem:$0x14880] =	vst v63  }
.LBB2_4:
0x50: {  	_ =	swait.ge [sflag:s30], $0x8000;
	s11 =	sshllo.u32 s29, $0x1  }
0x51: {  	[sflag:s30] =	ssyncset.done $0x0;
	s0 =	sshll.u32 s11, $0x5  }
0x52: {  	[sflag:s30] =	ssyncadd.s32 $0xFFFF8000;
	s0 =	sand.u32 $0x3FFFFFE0, s0  }
0x53: {  	v3 =	vld [tilespmem:s0+$0x400];
	_ =	sdelay $0x4  }
0x54: {  	v4 =	vshll.u32 v3, $0x3  }
0x55: {  	v3 =	vand.u32 $0x7, v3;
	v4 =	vand.u32 $0xFFFFFFC0, v4  }
0x56: {  	v3 =	vor.u32 v3, v4  }
0x57: {  	v4 =	vperm.xlane v3, v0;
	_ =	sdelay $0x1  }
0x58: {  	v4 =	vadd.s32 v1, v4;
	_ =	sdelay $0x3  }
0x59: {  	s1 =	simm.s32 $0x8800  }
0x5a: {  	[tilespmem:s1], [sflag:$0x2] =	stream.indirect_vreg.gather [hbm4b:s3+s2], $0x80, v4, vm0, $0xb8;
	[tilespmem:$0x14880] =	vst v63  }
0x5b: {  	s14 =	simm.s32 $0x9000;
	v3 =	vperm.xlane v3, v2  }
0x5c: {  	[tilespmem:s14], [sflag:$0x2] =	stream.indirect_vreg.gather [hbm4b:s6+s2], $0x80, v4, vm0, $0xb8;
	[tilespmem:$0x14880] =	vst v63  }
0x5d: {  	s15 =	simm.s32 $0x9800;
	v3 =	vadd.s32 v1, v3  }
0x5e: {  	[tilespmem:s15], [sflag:$0x2] =	stream.indirect_vreg.gather [hbm4b:s7+s2], $0x80, v4, vm0, $0xb8;
	[tilespmem:$0x14880] =	vst v63  }
0x5f: {  	s16 =	simm.s32 $0xA000  }
0x60: {  	[tilespmem:s16], [sflag:$0x2] =	stream.indirect_vreg.gather [hbm4b:s8+s2], $0x80, v4, vm0, $0xb8;
	[tilespmem:$0x14880] =	vst v63  }
0x61: {  	s5 =	simm.s32 $0xA800  }
0x62: {  	[tilespmem:s5], [sflag:$0x2] =	stream.indirect_vreg.gather [hbm4b:s3+s2], $0x80, v3, vm0, $0xb8;
	[tilespmem:$0x14880] =	vst v63  }
0x63: {  	s12 =	simm.s32 $0xB000  }
0x64: {  	[tilespmem:s12], [sflag:$0x2] =	stream.indirect_vreg.gather [hbm4b:s6+s2], $0x80, v3, vm0, $0xb8;
	[tilespmem:$0x14880] =	vst v63  }
0x65: {  	s13 =	simm.s32 $0xB800  }
0x66: {  	[tilespmem:s13], [sflag:$0x2] =	stream.indirect_vreg.gather [hbm4b:s7+s2], $0x80, v3, vm0, $0xb8;
	[tilespmem:$0x14880] =	vst v63  }
0x67: {  	s14 =	simm.s32 $0xC000  }
0x68: {  	[tilespmem:s14], [sflag:$0x2] =	stream.indirect_vreg.gather [hbm4b:s8+s2], $0x80, v3, vm0, $0xb8;
	[tilespmem:$0x14880] =	vst v63  }
0x69: {  	v3 =	vld [tilespmem:s0+$0x410];
	_ =	sdelay $0x4  }
0x6a: {  	v4 =	vshll.u32 v3, $0x3  }
0x6b: {  	v3 =	vand.u32 $0x7, v3;
	v4 =	vand.u32 $0xFFFFFFC0, v4  }
0x6c: {  	v3 =	vor.u32 v3, v4  }
0x6d: {  	v4 =	vperm.xlane v3, v0;
	_ =	sdelay $0x1  }
0x6e: {  	v4 =	vadd.s32 v1, v4;
	_ =	sdelay $0x4  }
0x6f: {  	[tilespmem:s17], [sflag:$0x2] =	stream.indirect_vreg.gather [hbm4b:s3+s2], $0x80, v4, vm0, $0xb8;
	[tilespmem:$0x14880] =	vst v63  }
0x70: {  	v3 =	vperm.xlane v3, v2  }
0x71: {  	[tilespmem:s18], [sflag:$0x2] =	stream.indirect_vreg.gather [hbm4b:s6+s2], $0x80, v4, vm0, $0xb8;
	[tilespmem:$0x14880] =	vst v63  }
0x72: {  	v3 =	vadd.s32 v1, v3  }
0x73: {  	[tilespmem:s19], [sflag:$0x2] =	stream.indirect_vreg.gather [hbm4b:s7+s2], $0x80, v4, vm0, $0xb8;
	[tilespmem:$0x14880] =	vst v63  }
0x74: {  	_ = 	snop  }
0x75: {  	[tilespmem:s20], [sflag:$0x2] =	stream.indirect_vreg.gather [hbm4b:s8+s2], $0x80, v4, vm0, $0xb8;
	[tilespmem:$0x14880] =	vst v63  }
0x76: {  	_ = 	snop  }
0x77: {  	[tilespmem:s21], [sflag:$0x2] =	stream.indirect_vreg.gather [hbm4b:s3+s2], $0x80, v3, vm0, $0xb8;
	[tilespmem:$0x14880] =	vst v63  }
0x78: {  	_ = 	snop  }
0x79: {  	[tilespmem:s22], [sflag:$0x2] =	stream.indirect_vreg.gather [hbm4b:s6+s2], $0x80, v3, vm0, $0xb8;
	[tilespmem:$0x14880] =	vst v63  }
0x7a: {  	p0 =	seq.s32 s29, $0x0  }
0x7b: {  	[tilespmem:s23], [sflag:$0x2] =	stream.indirect_vreg.gather [hbm4b:s7+s2], $0x80, v3, vm0, $0xb8;
	[tilespmem:$0x14880] =	vst v63  }
0x7c: {  	s0 =	simm.s32 @!p0 $0x3  }
0x7d: {  	[tilespmem:s24], [sflag:$0x2] =	stream.indirect_vreg.gather [hbm4b:s8+s2], $0x80, v3, vm0, $0xb8;
	[tilespmem:$0x14880] =	vst v63  }
0x7e: {  	_ =	swait.ge @!p0 [sflag:s0], $0x2000  }
0x7f: {  	s15 =	sand.u32 $0x70, s10;
	s5 =	sand.u32 $0x1C00, s10;
	[sflag:s0] =	ssyncset.done @!p0 $0x0  }
0x80: {  	s5 =	sor.u32 s15, s5;
	[sflag:s0] =	ssyncadd.s32 @!p0 $0xFFFFE000  }
0x81: {  	v4 =	vld [tilespmem:s5+$0x900]  }
0x82: {  	v5 =	vld [tilespmem:s5+$0x2900]  }
0x83: {  	v8 =	vld [tilespmem:s5+$0x4900]  }
0x84: {  	v10 =	vld [tilespmem:s5+$0x2B00]  }
0x85: {  	v3 =	vld [tilespmem:s5+$0x6980]  }
0x86: {  	v6 =	vld [tilespmem:s5+$0x6900]  }
0x87: {  	v7 =	vld [tilespmem:s5+$0x6800]  }
0x88: {  	v9 =	vld [tilespmem:s5+$0x4B00]  }
0x89: {  	v11 =	vld [tilespmem:s5+$0x6880]  }
0x8a: {  	v12 =	vld [tilespmem:s5+$0x4800]  }
0x8b: {  	v13 =	vld [tilespmem:s5+$0x4A00]  }
0x8c: {  	v14 =	vld [tilespmem:s5+$0x4A80]  }
0x8d: {  	v15 =	vld [tilespmem:s5+$0x2880]  }
0x8e: {  	v16 =	vld [tilespmem:s5+$0x2A00]  }
0x8f: {  	v17 =	vld [tilespmem:s5+$0x880]  }
0x90: {  	v18 =	vld [tilespmem:s5+$0x4880]  }
0x91: {  	v19 =	vld [tilespmem:s5+$0xA80]  }
0x92: {  	v20 =	vld [tilespmem:s5+$0x2A80]  }
0x93: {  	v22 =	vld [tilespmem:s5+$0x800]  }
0x94: {  	v21 =	vld [tilespmem:s5+$0x2800]  }
0x95: {  	v23 =	vld [tilespmem:s5+$0xA00];
	v7 =	vadd.f32 v11, v7  }
0x96: {  	v24 =	vld [tilespmem:s5+$0x2980]  }
0x97: {  	v11 =	vld [tilespmem:s5+$0x980];
	v6 =	vadd.f32 v6, v7  }
0x98: {  	v25 =	vld [tilespmem:s5+$0x2B80];
	v7 =	vadd.f32 v14, v13;
	v13 =	vadd.f32 v17, v22  }
0x99: {  	v62 =	vld [tilespmem:s5+$0x4980];
	v15 =	vadd.f32 v15, v21  }
0x9a: {  	v12 =	vadd.f32 v18, v12;
	v14 =	vld [tilespmem:s5+$0x4B80];
	v4 =	vadd.f32 v4, v13  }
0x9b: {  	v3 =	vadd.f32 v3, v6;
	v6 =	vld [tilespmem:s5+$0x6A00];
	v13 =	vadd.f32 v20, v16  }
0x9c: {  	v63 =	vadd.f32 v9, v7;
	v9 =	vld [tilespmem:s5+$0x6A80];
	v4 =	vadd.f32 v11, v4  }
0x9d: {  	v7 =	vld [tilespmem:s5+$0xB00];
	v11 =	vadd.f32 v10, v13;
	v13 =	vadd.f32 v5, v15  }
0x9e: {  	s1 =	simm.s32 $0x80;
	s16 =	sor.u32 s10, s10;
	s13 =	simm.s32 $0x10;
	v10 =	vld [tilespmem:s5+$0x6B00];
	v15 =	vadd.f32 v8, v12;
	v5 =	vadd.f32 v19, v23  }
0x9f: {  	s31 =	sand.u32 $0x1C00, s1;
	s12 =	sand.u32 $0x70, s13;
	s14 =	sor.u32 $0x380, s16;
	v12 =	vadd.f32 v14, v63;
	[tilespmem:s5+$0x10800] =	vst v4;
	v8 =	vadd.f32 v25, v11;
	v11 =	vld [tilespmem:s5+$0x6B80]  }
0xa0: {  	s0 =	sor.u32 s12, s31;
	s12 =	simm.s32 $0x20;
	s31 =	sor.u32 s1, s13;
	v4 =	vadd.f32 v24, v13;
	v13 =	vadd.f32 v62, v15;
	v14 =	vld [tilespmem:s14+$0x800]  }
.LBB2_5:
0xa1: {  	p0 =	sne.s32 s12, $0x3F0  }
0xa2: {  	s1 =	sadd.s32 $0x80, s1;
	v6 =	vadd.f32 v9, v6;
	s15 =	smov.u32 s12;
	s12 =	sadd.s32 $0x10, s12  }
0xa3: {  	s13 =	sor.u32 s1, s15;
	v5 =	vadd.f32 v7, v5;
	[tilespmem:s5+$0x10B00] =	vst v3  }
0xa4: {  	[tilespmem:s5+$0x10A80] =	vst v12;
	v3 =	vadd.f32 v10, v6  }
0xa5: {  	[tilespmem:s5+$0x10A00] =	vst v13  }
0xa6: {  	v5 =	vadd.f32 v14, v5;
	[tilespmem:s5+$0x10980] =	vst v8;
	v3 =	vadd.f32 v11, v3  }
0xa7: {  	[tilespmem:s5+$0x10900] =	vst v4  }
0xa8: {  	[tilespmem:s5+$0x10880] =	vst v5;
	s5 =	smov.u32 s0  }
0xa9: {  	[tilespmem:s14+$0x10800] =	vst v3  }
0xaa: {  	v4 =	vld [tilespmem:s5+$0x900]  }
0xab: {  	v6 =	vld [tilespmem:s5+$0x2900]  }
0xac: {  	v5 =	vld [tilespmem:s5+$0x4900]  }
0xad: {  	v7 =	vld [tilespmem:s5+$0x2B00]  }
0xae: {  	v3 =	vld [tilespmem:s5+$0x6980]  }
0xaf: {  	v8 =	vld [tilespmem:s5+$0x6900]  }
0xb0: {  	v9 =	vld [tilespmem:s5+$0x6800]  }
0xb1: {  	v10 =	vld [tilespmem:s5+$0x4B00]  }
0xb2: {  	v11 =	vld [tilespmem:s5+$0x6880]  }
0xb3: {  	v12 =	vld [tilespmem:s5+$0x4800]  }
0xb4: {  	v13 =	vld [tilespmem:s5+$0x4A00]  }
0xb5: {  	s0 =	sand.u32 $0x70, s15;
	s14 =	sand.u32 $0x1C00, s1;
	v14 =	vld [tilespmem:s5+$0x4A80]  }
0xb6: {  	s0 =	sor.u32 s0, s14;
	v15 =	vld [tilespmem:s5+$0x2880]  }
0xb7: {  	v16 =	vld [tilespmem:s5+$0x2A00];
	v9 =	vadd.f32 v11, v9  }
0xb8: {  	v11 =	vld [tilespmem:s5+$0x880]  }
0xb9: {  	v17 =	vld [tilespmem:s5+$0x4880];
	v8 =	vadd.f32 v8, v9  }
0xba: {  	v9 =	vld [tilespmem:s5+$0xA80];
	v13 =	vadd.f32 v14, v13  }
0xbb: {  	v14 =	vld [tilespmem:s5+$0x2A80];
	v3 =	vadd.f32 v3, v8  }
0xbc: {  	v8 =	vld [tilespmem:s5+$0x2800];
	v10 =	vadd.f32 v10, v13  }
0xbd: {  	v13 =	vld [tilespmem:s5+$0xA00]  }
0xbe: {  	v18 =	vld [tilespmem:s5+$0x800];
	v12 =	vadd.f32 v17, v12  }
0xbf: {  	v17 =	vld [tilespmem:s5+$0x980]  }
0xc0: {  	v19 =	vld [tilespmem:s5+$0x2980];
	v14 =	vadd.f32 v14, v16;
	v16 =	vadd.f32 v5, v12  }
0xc1: {  	v8 =	vadd.f32 v15, v8  }
0xc2: {  	v5 =	vadd.f32 v9, v13;
	v12 =	vadd.f32 v7, v14;
	v13 =	vld [tilespmem:s5+$0x2B80]  }
0xc3: {  	v7 =	vadd.f32 v11, v18;
	v6 =	vadd.f32 v6, v8;
	v11 =	vld [tilespmem:s5+$0x4B80]  }
0xc4: {  	v14 =	vld [tilespmem:s5+$0x4980]  }
0xc5: {  	v7 =	vadd.f32 v4, v7;
	v4 =	vadd.f32 v19, v6;
	v6 =	vld [tilespmem:s5+$0x6A00]  }
.Ltmp1:
0xc6: {  	v9 =	vld [tilespmem:s5+$0x6A80];
	(pc) =	sbr.rel @p0 .LBB2_5-.Ltmp1, $4  }
0xc7: {  	v15 =	vadd.f32 v17, v7;
	v7 =	vld [tilespmem:s5+$0xB00];
	v8 =	vadd.f32 v13, v12  }
0xc8: {  	s14 =	sor.u32 $0x380, s31;
	s31 =	smov.u32 s13;
	v12 =	vadd.f32 v11, v10;
	v10 =	vld [tilespmem:s5+$0x6B00]  }
0xc9: {  	[tilespmem:s5+$0x10800] =	vst v15;
	v13 =	vadd.f32 v14, v16;
	v11 =	vld [tilespmem:s5+$0x6B80]  }
0xca: {  	v14 =	vld [tilespmem:s14+$0x800]  }
0xcb: {  	_ = 	snop  }
0xcc: {  	v6 =	vadd.f32 v9, v6;
	[tilespmem:s5+$0x10B00] =	vst v3  }
0xcd: {  	[tilespmem:s5+$0x10A80] =	vst v12;
	v3 =	vadd.f32 v7, v5  }
0xce: {  	[tilespmem:s5+$0x10A00] =	vst v13;
	v5 =	vadd.f32 v10, v6  }
0xcf: {  	[tilespmem:s5+$0x10980] =	vst v8;
	v3 =	vadd.f32 v14, v3  }
0xd0: {  	[tilespmem:s5+$0x10900] =	vst v4;
	v5 =	vadd.f32 v11, v5  }
0xd1: {  	[tilespmem:s5+$0x10880] =	vst v3  }
0xd2: {  	[tilespmem:s14+$0x10800] =	vst v5  }
0xd3: {  	v3 =	vld [tilespmem:s0+$0x900]  }
0xd4: {  	v4 =	vld [tilespmem:s0+$0x2900]  }
0xd5: {  	v5 =	vld [tilespmem:s0+$0x4900]  }
0xd6: {  	v6 =	vld [tilespmem:s0+$0x2B00]  }
0xd7: {  	v7 =	vld [tilespmem:s0+$0x6980]  }
0xd8: {  	v8 =	vld [tilespmem:s0+$0x6900]  }
0xd9: {  	v9 =	vld [tilespmem:s0+$0x6800]  }
0xda: {  	v10 =	vld [tilespmem:s0+$0x4B00]  }
0xdb: {  	v11 =	vld [tilespmem:s0+$0x6880]  }
0xdc: {  	v12 =	vld [tilespmem:s0+$0x4800]  }
0xdd: {  	v13 =	vld [tilespmem:s0+$0x4A00]  }
0xde: {  	v14 =	vld [tilespmem:s0+$0x4A80]  }
0xdf: {  	v15 =	vld [tilespmem:s0+$0x2880]  }
0xe0: {  	v16 =	vld [tilespmem:s0+$0x2A00]  }
0xe1: {  	v17 =	vld [tilespmem:s0+$0x880]  }
0xe2: {  	v18 =	vld [tilespmem:s0+$0x4880]  }
0xe3: {  	v19 =	vld [tilespmem:s0+$0xA80]  }
0xe4: {  	v20 =	vld [tilespmem:s0+$0x2A80]  }
0xe5: {  	v22 =	vld [tilespmem:s0+$0x800]  }
0xe6: {  	v21 =	vld [tilespmem:s0+$0x2800]  }
0xe7: {  	v23 =	vld [tilespmem:s0+$0xA00]  }
0xe8: {  	v24 =	vld [tilespmem:s0+$0x980]  }
0xe9: {  	v25 =	vld [tilespmem:s0+$0x2980]  }
0xea: {  	v49 =	vld [tilespmem:s0+$0x4B80];
	v9 =	vadd.f32 v11, v9;
	v17 =	vadd.f32 v17, v22  }
0xeb: {  	v50 =	vld [tilespmem:s0+$0x6A00];
	v13 =	vadd.f32 v14, v13;
	v12 =	vadd.f32 v18, v12  }
0xec: {  	v51 =	vld [tilespmem:s0+$0x6B00];
	v8 =	vadd.f32 v8, v9;
	v3 =	vadd.f32 v3, v17  }
0xed: {  	v11 =	vld [tilespmem:s0+$0x2B80];
	v10 =	vadd.f32 v10, v13;
	v13 =	vadd.f32 v20, v16  }
0xee: {  	v7 =	vadd.f32 v7, v8;
	v8 =	vld [tilespmem:s0+$0x6A80];
	v3 =	vadd.f32 v24, v3  }
0xef: {  	v14 =	vld [tilespmem:s0+$0xB00];
	v5 =	vadd.f32 v5, v12;
	v12 =	vadd.f32 v15, v21  }
0xf0: {  	s1 =	sor.u32 $0x380, s31;
	v9 =	vld [tilespmem:s0+$0x4980];
	[tilespmem:s0+$0x10800] =	vst v3  }
0xf1: {  	v6 =	vadd.f32 v6, v13;
	v4 =	vadd.f32 v4, v12;
	v13 =	vld [tilespmem:s1+$0x800]  }
0xf2: {  	v10 =	vadd.f32 v49, v10;
	v12 =	vld [tilespmem:s0+$0x6B80];
	v3 =	vadd.f32 v19, v23  }
0xf3: {  	v6 =	vadd.f32 v11, v6;
	[tilespmem:s0+$0x10B00] =	vst v7;
	v8 =	vadd.f32 v8, v50  }
0xf4: {  	v4 =	vadd.f32 v25, v4;
	[tilespmem:s0+$0x10A80] =	vst v10;
	v3 =	vadd.f32 v14, v3  }
0xf5: {  	v5 =	vadd.f32 v9, v5;
	[tilespmem:s0+$0x10980] =	vst v6;
	v7 =	vadd.f32 v51, v8  }
0xf6: {  	[tilespmem:s0+$0x10900] =	vst v4;
	v3 =	vadd.f32 v13, v3  }
0xf7: {  	[tilespmem:s0+$0x10A00] =	vst v5;
	v5 =	vadd.f32 v12, v7  }
0xf8: {  	s13 =	sshll.u32 s29, $0xB;
	[tilespmem:s0+$0x10880] =	vst v3  }
0xf9: {  	s0 =	sadd.s32 s13, s9;
	[tilespmem:s1+$0x10800] =	vst v5  }
0xfa: {  	[hbm4b:s0+s2] =	stream.linear.scatter [tilespmem:s25], [sflag:$0x3], $0x2000, $0x38;
	[tilespmem:$0x14880] =	vst v63  }
0xfb: {  	p0 =	seq.s32 s29, $0xF;
	_ =	swait.ge [sflag:s26], $0x8000  }
0xfc: {  	s0 =	sshll.u32 @!p0 s29, $0x6;
	[sflag:s26] =	ssyncset.done $0x0  }
0xfd: {  	s0 =	sand.u32 @!p0 $0x3FFFFFC0, s0;
	[sflag:s26] =	ssyncadd.s32 $0xFFFF8000  }
0xfe: {  	v3 =	vld @!p0 [tilespmem:s0+$0x440];
	_ =	sdelay $0x4  }
0xff: {  	v4 =	vshll.u32 @!p0 v3, $0x3  }
0x100: {  	v5 =	vlaneseq.u32 @!p0;
	v3 =	vand.u32 @!p0 $0x7, v3;
	v4 =	vand.u32 @!p0 $0xFFFFFFC0, v4  }
0x101: {  	v6 =	vshrl.u32 @!p0 v5, $0x3;
	v3 =	vor.u32 @!p0 v3, v4;
	v4 =	vand.u32 @!p0 $0x7, v5  }
0x102: {  	v6 =	vmul.u32 @!p0 $0x8, v6;
	v7 =	vperm.xlane @!p0 v3, v4;
	_ =	sdelay $0x1  }
0x103: {  	v7 =	vadd.s32 @!p0 v6, v7;
	_ =	sdelay $0x3  }
0x104: {  	vm1 =	vmmov @!p0 $0xffff;
	s5 =	simm.s32 @!p0 $0x800;
	s1 =	simm.s32 @!p0 $0x0  }
0x105: {  	v5 =	vor.u32 @!p0 $0x8, v5;
	[tilespmem:s5], [sflag:$0x1] =	stream.indirect_vreg.gather @!p0 [hbm4b:s3+s1], $0x80, v7, vm1, $0xb8;
	[tilespmem:$0x14880] =	vst v63  }
0x106: {  	v3 =	vperm.xlane @!p0 v3, v5;
	s5 =	simm.s32 @!p0 $0x1000  }
0x107: {  	[tilespmem:s5], [sflag:$0x1] =	stream.indirect_vreg.gather @!p0 [hbm4b:s6+s1], $0x80, v7, vm1, $0xb8;
	[tilespmem:$0x14880] =	vst v63  }
0x108: {  	v3 =	vadd.s32 @!p0 v6, v3;
	s5 =	simm.s32 @!p0 $0x1800  }
0x109: {  	[tilespmem:s5], [sflag:$0x1] =	stream.indirect_vreg.gather @!p0 [hbm4b:s7+s1], $0x80, v7, vm1, $0xb8;
	[tilespmem:$0x14880] =	vst v63  }
0x10a: {  	s5 =	simm.s32 @!p0 $0x2000  }
0x10b: {  	[tilespmem:s5], [sflag:$0x1] =	stream.indirect_vreg.gather @!p0 [hbm4b:s8+s1], $0x80, v7, vm1, $0xb8;
	[tilespmem:$0x14880] =	vst v63  }
0x10c: {  	s5 =	simm.s32 @!p0 $0x2800  }
0x10d: {  	[tilespmem:s5], [sflag:$0x1] =	stream.indirect_vreg.gather @!p0 [hbm4b:s3+s1], $0x80, v3, vm1, $0xb8;
	[tilespmem:$0x14880] =	vst v63  }
0x10e: {  	s5 =	simm.s32 @!p0 $0x3000  }
0x10f: {  	[tilespmem:s5], [sflag:$0x1] =	stream.indirect_vreg.gather @!p0 [hbm4b:s6+s1], $0x80, v3, vm1, $0xb8;
	[tilespmem:$0x14880] =	vst v63  }
0x110: {  	s5 =	simm.s32 @!p0 $0x3800  }
0x111: {  	[tilespmem:s5], [sflag:$0x1] =	stream.indirect_vreg.gather @!p0 [hbm4b:s7+s1], $0x80, v3, vm1, $0xb8;
	[tilespmem:$0x14880] =	vst v63  }
0x112: {  	s5 =	simm.s32 @!p0 $0x4000  }
0x113: {  	[tilespmem:s5], [sflag:$0x1] =	stream.indirect_vreg.gather @!p0 [hbm4b:s8+s1], $0x80, v3, vm1, $0xb8;
	[tilespmem:$0x14880] =	vst v63  }
0x114: {  	v3 =	vld @!p0 [tilespmem:s0+$0x450];
	_ =	sdelay $0x4  }
0x115: {  	v7 =	vshll.u32 @!p0 v3, $0x3  }
0x116: {  	v3 =	vand.u32 @!p0 $0x7, v3;
	v7 =	vand.u32 @!p0 $0xFFFFFFC0, v7  }
0x117: {  	v3 =	vor.u32 @!p0 v3, v7  }
0x118: {  	v4 =	vperm.xlane @!p0 v3, v4;
	_ =	sdelay $0x1  }
0x119: {  	v4 =	vadd.s32 @!p0 v6, v4;
	_ =	sdelay $0x3  }
0x11a: {  	s0 =	simm.s32 @!p0 $0x4800  }
0x11b: {  	[tilespmem:s0], [sflag:$0x1] =	stream.indirect_vreg.gather @!p0 [hbm4b:s3+s1], $0x80, v4, vm1, $0xb8;
	[tilespmem:$0x14880] =	vst v63  }
0x11c: {  	v3 =	vperm.xlane @!p0 v3, v5;
	s0 =	simm.s32 @!p0 $0x5000  }
0x11d: {  	[tilespmem:s0], [sflag:$0x1] =	stream.indirect_vreg.gather @!p0 [hbm4b:s6+s1], $0x80, v4, vm1, $0xb8;
	[tilespmem:$0x14880] =	vst v63  }
0x11e: {  	v3 =	vadd.s32 @!p0 v6, v3;
	s0 =	simm.s32 @!p0 $0x5800  }
0x11f: {  	[tilespmem:s0], [sflag:$0x1] =	stream.indirect_vreg.gather @!p0 [hbm4b:s7+s1], $0x80, v4, vm1, $0xb8;
	[tilespmem:$0x14880] =	vst v63  }
0x120: {  	s0 =	simm.s32 @!p0 $0x6000  }
0x121: {  	[tilespmem:s0], [sflag:$0x1] =	stream.indirect_vreg.gather @!p0 [hbm4b:s8+s1], $0x80, v4, vm1, $0xb8;
	[tilespmem:$0x14880] =	vst v63  }
0x122: {  	s0 =	simm.s32 @!p0 $0x6800  }
0x123: {  	[tilespmem:s0], [sflag:$0x1] =	stream.indirect_vreg.gather @!p0 [hbm4b:s3+s1], $0x80, v3, vm1, $0xb8;
	[tilespmem:$0x14880] =	vst v63  }
0x124: {  	s0 =	simm.s32 @!p0 $0x7000  }
0x125: {  	[tilespmem:s0], [sflag:$0x1] =	stream.indirect_vreg.gather @!p0 [hbm4b:s6+s1], $0x80, v3, vm1, $0xb8;
	[tilespmem:$0x14880] =	vst v63  }
0x126: {  	s0 =	simm.s32 @!p0 $0x7800  }
0x127: {  	[tilespmem:s0], [sflag:$0x1] =	stream.indirect_vreg.gather @!p0 [hbm4b:s7+s1], $0x80, v3, vm1, $0xb8;
	[tilespmem:$0x14880] =	vst v63  }
0x128: {  	p1 =	seq.s32 @!p0 s29, $0x0;
	s0 =	simm.s32 @!p0 $0x8000  }
0x129: {  	[tilespmem:s0], [sflag:$0x1] =	stream.indirect_vreg.gather @!p0 [hbm4b:s8+s1], $0x80, v3, vm1, $0xb8;
	[tilespmem:$0x14880] =	vst v63  }
0x12a: {  	p0 =	por p0, !p1  }
0x12b: {  	s14 =	simm.s32 $0x0;
	_ =	swait.ge @p0 [sflag:s4], $0x2000  }
0x12c: {  	s15 =	sand.u32 $0x70, s14;
	s16 =	sand.u32 $0x1C00, s14;
	[sflag:s4] =	ssyncset.done @p0 $0x0  }
0x12d: {  	s5 =	sor.u32 s15, s16;
	[sflag:s4] =	ssyncadd.s32 @p0 $0xFFFFE000  }
0x12e: {  	v4 =	vld [tilespmem:s5+$0x8900]  }
0x12f: {  	v5 =	vld [tilespmem:s5+$0xA900]  }
0x130: {  	v8 =	vld [tilespmem:s5+$0xC900]  }
0x131: {  	v10 =	vld [tilespmem:s5+$0xAB00]  }
0x132: {  	v3 =	vld [tilespmem:s5+$0xE980]  }
0x133: {  	v6 =	vld [tilespmem:s5+$0xE900]  }
0x134: {  	v7 =	vld [tilespmem:s5+$0xE800]  }
0x135: {  	v9 =	vld [tilespmem:s5+$0xCB00]  }
0x136: {  	v11 =	vld [tilespmem:s5+$0xE880]  }
0x137: {  	v12 =	vld [tilespmem:s5+$0xC800]  }
0x138: {  	v13 =	vld [tilespmem:s5+$0xCA00]  }
0x139: {  	v14 =	vld [tilespmem:s5+$0xCA80]  }
0x13a: {  	v15 =	vld [tilespmem:s5+$0xA880]  }
0x13b: {  	v52 =	vld [tilespmem:s5+$0xAA00]  }
0x13c: {  	v53 =	vld [tilespmem:s5+$0x8880]  }
0x13d: {  	v54 =	vld [tilespmem:s5+$0xC880]  }
0x13e: {  	v55 =	vld [tilespmem:s5+$0x8A80]  }
0x13f: {  	v56 =	vld [tilespmem:s5+$0xAA80]  }
0x140: {  	v58 =	vld [tilespmem:s5+$0x8800]  }
0x141: {  	v57 =	vld [tilespmem:s5+$0xA800]  }
0x142: {  	v59 =	vld [tilespmem:s5+$0x8A00];
	v7 =	vadd.f32 v11, v7  }
0x143: {  	v60 =	vld [tilespmem:s5+$0xA980]  }
0x144: {  	v11 =	vld [tilespmem:s5+$0x8980];
	v6 =	vadd.f32 v6, v7  }
0x145: {  	v61 =	vld [tilespmem:s5+$0xAB80];
	v7 =	vadd.f32 v14, v13;
	v13 =	vadd.f32 v53, v58  }
0x146: {  	v62 =	vld [tilespmem:s5+$0xC980];
	v15 =	vadd.f32 v15, v57  }
0x147: {  	v12 =	vadd.f32 v54, v12;
	v14 =	vld [tilespmem:s5+$0xCB80];
	v4 =	vadd.f32 v4, v13  }
0x148: {  	v3 =	vadd.f32 v3, v6;
	v6 =	vld [tilespmem:s5+$0xEA00];
	v13 =	vadd.f32 v56, v52  }
0x149: {  	v63 =	vadd.f32 v9, v7;
	v9 =	vld [tilespmem:s5+$0xEA80];
	v4 =	vadd.f32 v11, v4  }
0x14a: {  	v7 =	vld [tilespmem:s5+$0x8B00];
	v11 =	vadd.f32 v10, v13;
	v13 =	vadd.f32 v5, v15  }
0x14b: {  	s13 =	simm.s32 $0x10;
	s0 =	sor.u32 s14, s14;
	s1 =	simm.s32 $0x80;
	v10 =	vld [tilespmem:s5+$0xEB00];
	v15 =	vadd.f32 v8, v12;
	v5 =	vadd.f32 v55, v59  }
0x14c: {  	s15 =	sand.u32 $0x70, s13;
	s16 =	sand.u32 $0x1C00, s1;
	s14 =	sor.u32 $0x380, s0;
	v12 =	vadd.f32 v14, v63;
	[tilespmem:s5+$0x12800] =	vst v4;
	v8 =	vadd.f32 v61, v11;
	v11 =	vld [tilespmem:s5+$0xEB80]  }
0x14d: {  	s12 =	simm.s32 $0x20;
	s31 =	sor.u32 s1, s13;
	s0 =	sor.u32 s15, s16;
	v4 =	vadd.f32 v60, v13;
	v13 =	vadd.f32 v62, v15;
	v14 =	vld [tilespmem:s14+$0x8800]  }
.LBB2_7:
0x14e: {  	p0 =	sne.s32 s12, $0x3F0  }
0x14f: {  	s1 =	sadd.s32 $0x80, s1;
	v6 =	vadd.f32 v9, v6;
	s15 =	smov.u32 s12;
	s12 =	sadd.s32 $0x10, s12  }
0x150: {  	s13 =	sor.u32 s1, s15;
	v5 =	vadd.f32 v7, v5;
	[tilespmem:s5+$0x12B00] =	vst v3  }
0x151: {  	[tilespmem:s5+$0x12A80] =	vst v12;
	v3 =	vadd.f32 v10, v6  }
0x152: {  	[tilespmem:s5+$0x12A00] =	vst v13  }
0x153: {  	v5 =	vadd.f32 v14, v5;
	[tilespmem:s5+$0x12980] =	vst v8;
	v3 =	vadd.f32 v11, v3  }
0x154: {  	[tilespmem:s5+$0x12900] =	vst v4  }
0x155: {  	[tilespmem:s5+$0x12880] =	vst v5;
	s5 =	smov.u32 s0  }
0x156: {  	[tilespmem:s14+$0x12800] =	vst v3  }
0x157: {  	v4 =	vld [tilespmem:s5+$0x8900]  }
0x158: {  	v6 =	vld [tilespmem:s5+$0xA900]  }
0x159: {  	v5 =	vld [tilespmem:s5+$0xC900]  }
0x15a: {  	v7 =	vld [tilespmem:s5+$0xAB00]  }
0x15b: {  	v3 =	vld [tilespmem:s5+$0xE980]  }
0x15c: {  	v8 =	vld [tilespmem:s5+$0xE900]  }
0x15d: {  	v9 =	vld [tilespmem:s5+$0xE800]  }
0x15e: {  	v10 =	vld [tilespmem:s5+$0xCB00]  }
0x15f: {  	v11 =	vld [tilespmem:s5+$0xE880]  }
0x160: {  	v12 =	vld [tilespmem:s5+$0xC800]  }
0x161: {  	v13 =	vld [tilespmem:s5+$0xCA00]  }
0x162: {  	s0 =	sand.u32 $0x70, s15;
	s14 =	sand.u32 $0x1C00, s1;
	v14 =	vld [tilespmem:s5+$0xCA80]  }
0x163: {  	s0 =	sor.u32 s0, s14;
	v15 =	vld [tilespmem:s5+$0xA880]  }
0x164: {  	v16 =	vld [tilespmem:s5+$0xAA00];
	v9 =	vadd.f32 v11, v9  }
0x165: {  	v11 =	vld [tilespmem:s5+$0x8880]  }
0x166: {  	v17 =	vld [tilespmem:s5+$0xC880];
	v8 =	vadd.f32 v8, v9  }
0x167: {  	v9 =	vld [tilespmem:s5+$0x8A80];
	v13 =	vadd.f32 v14, v13  }
0x168: {  	v14 =	vld [tilespmem:s5+$0xAA80];
	v3 =	vadd.f32 v3, v8  }
0x169: {  	v8 =	vld [tilespmem:s5+$0xA800];
	v10 =	vadd.f32 v10, v13  }
0x16a: {  	v13 =	vld [tilespmem:s5+$0x8A00]  }
0x16b: {  	v18 =	vld [tilespmem:s5+$0x8800];
	v12 =	vadd.f32 v17, v12  }
0x16c: {  	v17 =	vld [tilespmem:s5+$0x8980]  }
0x16d: {  	v19 =	vld [tilespmem:s5+$0xA980];
	v14 =	vadd.f32 v14, v16;
	v16 =	vadd.f32 v5, v12  }
0x16e: {  	v8 =	vadd.f32 v15, v8  }
0x16f: {  	v5 =	vadd.f32 v9, v13;
	v12 =	vadd.f32 v7, v14;
	v13 =	vld [tilespmem:s5+$0xAB80]  }
0x170: {  	v7 =	vadd.f32 v11, v18;
	v6 =	vadd.f32 v6, v8;
	v11 =	vld [tilespmem:s5+$0xCB80]  }
0x171: {  	v14 =	vld [tilespmem:s5+$0xC980]  }
0x172: {  	v7 =	vadd.f32 v4, v7;
	v4 =	vadd.f32 v19, v6;
	v6 =	vld [tilespmem:s5+$0xEA00]  }
.Ltmp2:
0x173: {  	v9 =	vld [tilespmem:s5+$0xEA80];
	(pc) =	sbr.rel @p0 .LBB2_7-.Ltmp2, $4  }
0x174: {  	v15 =	vadd.f32 v17, v7;
	v7 =	vld [tilespmem:s5+$0x8B00];
	v8 =	vadd.f32 v13, v12  }
0x175: {  	s14 =	sor.u32 $0x380, s31;
	s31 =	smov.u32 s13;
	v12 =	vadd.f32 v11, v10;
	v10 =	vld [tilespmem:s5+$0xEB00]  }
0x176: {  	[tilespmem:s5+$0x12800] =	vst v15;
	v13 =	vadd.f32 v14, v16;
	v11 =	vld [tilespmem:s5+$0xEB80]  }
0x177: {  	v14 =	vld [tilespmem:s14+$0x8800]  }
0x178: {  	_ = 	snop  }
0x179: {  	v6 =	vadd.f32 v9, v6;
	[tilespmem:s5+$0x12B00] =	vst v3  }
0x17a: {  	[tilespmem:s5+$0x12A80] =	vst v12;
	v3 =	vadd.f32 v7, v5  }
0x17b: {  	[tilespmem:s5+$0x12A00] =	vst v13;
	v44 =	vadd.f32 v10, v6  }
0x17c: {  	[tilespmem:s5+$0x12980] =	vst v8;
	v3 =	vadd.f32 v14, v3  }
0x17d: {  	[tilespmem:s5+$0x12900] =	vst v4;
	v5 =	vadd.f32 v11, v44  }
0x17e: {  	[tilespmem:s5+$0x12880] =	vst v3  }
0x17f: {  	[tilespmem:s14+$0x12800] =	vst v5  }
0x180: {  	v3 =	vld [tilespmem:s0+$0x8900]  }
0x181: {  	v4 =	vld [tilespmem:s0+$0xA900]  }
0x182: {  	v5 =	vld [tilespmem:s0+$0xC900]  }
0x183: {  	v45 =	vld [tilespmem:s0+$0xAB00]  }
0x184: {  	v46 =	vld [tilespmem:s0+$0xE980]  }
0x185: {  	v8 =	vld [tilespmem:s0+$0xE900]  }
0x186: {  	v47 =	vld [tilespmem:s0+$0xE800]  }
0x187: {  	v48 =	vld [tilespmem:s0+$0xCB00]  }
0x188: {  	v49 =	vld [tilespmem:s0+$0xE880]  }
0x189: {  	v12 =	vld [tilespmem:s0+$0xC800]  }
0x18a: {  	v13 =	vld [tilespmem:s0+$0xCA00]  }
0x18b: {  	v50 =	vld [tilespmem:s0+$0xCA80]  }
0x18c: {  	v15 =	vld [tilespmem:s0+$0xA880]  }
0x18d: {  	v16 =	vld [tilespmem:s0+$0xAA00]  }
0x18e: {  	v17 =	vld [tilespmem:s0+$0x8880]  }
0x18f: {  	v18 =	vld [tilespmem:s0+$0xC880]  }
0x190: {  	v19 =	vld [tilespmem:s0+$0x8A80]  }
0x191: {  	v20 =	vld [tilespmem:s0+$0xAA80]  }
0x192: {  	v22 =	vld [tilespmem:s0+$0x8800]  }
0x193: {  	v21 =	vld [tilespmem:s0+$0xA800]  }
0x194: {  	v23 =	vld [tilespmem:s0+$0x8A00]  }
0x195: {  	v24 =	vld [tilespmem:s0+$0x8980]  }
0x196: {  	v25 =	vld [tilespmem:s0+$0xA980]  }
0x197: {  	v51 =	vld [tilespmem:s0+$0xAB80];
	v17 =	vadd.f32 v17, v22  }
0x198: {  	v52 =	vld [tilespmem:s0+$0xCB80];
	v9 =	vadd.f32 v49, v47  }
0x199: {  	v53 =	vld [tilespmem:s0+$0xC980];
	v13 =	vadd.f32 v50, v13;
	v3 =	vadd.f32 v3, v17  }
0x19a: {  	v54 =	vld [tilespmem:s0+$0xEA00];
	v12 =	vadd.f32 v18, v12;
	v57 =	vadd.f32 v20, v16  }
0x19b: {  	v55 =	vld [tilespmem:s0+$0xEA80];
	v59 =	vadd.f32 v15, v21;
	v3 =	vadd.f32 v24, v3  }
0x19c: {  	v56 =	vld [tilespmem:s0+$0x8B00];
	v8 =	vadd.f32 v8, v9;
	v10 =	vadd.f32 v48, v13  }
0x19d: {  	s1 =	sor.u32 $0x380, s31;
	v58 =	vld [tilespmem:s0+$0xEB00];
	v5 =	vadd.f32 v5, v12;
	v6 =	vadd.f32 v45, v57;
	[tilespmem:s0+$0x12800] =	vst v3  }
0x19e: {  	v4 =	vadd.f32 v4, v59;
	v7 =	vadd.f32 v46, v8;
	v60 =	vld [tilespmem:s1+$0x8800]  }
0x19f: {  	v61 =	vld [tilespmem:s0+$0xEB80];
	v10 =	vadd.f32 v52, v10;
	v3 =	vadd.f32 v19, v23  }
0x1a0: {  	v5 =	vadd.f32 v53, v5;
	v8 =	vadd.f32 v55, v54;
	[tilespmem:s0+$0x12B00] =	vst v7  }
0x1a1: {  	s29 =	sadd.s32 $0x1, s29;
	v6 =	vadd.f32 v51, v6;
	[tilespmem:s0+$0x12A80] =	vst v10;
	v3 =	vadd.f32 v56, v3  }
0x1a2: {  	p0 =	sne.s32 s29, $0x10;
	v4 =	vadd.f32 v25, v4;
	v62 =	vadd.f32 v58, v8;
	[tilespmem:s0+$0x12A00] =	vst v5  }
.Ltmp3:
0x1a3: {  	[tilespmem:s0+$0x12980] =	vst v6;
	v3 =	vadd.f32 v60, v3;
	(pc) =	sbr.rel @p0 .LBB2_4-.Ltmp3, $4  }
0x1a4: {  	[tilespmem:s0+$0x12900] =	vst v4;
	v63 =	vadd.f32 v61, v62  }
0x1a5: {  	s31 =	sshll.u32 s11, $0xA;
	[tilespmem:s0+$0x12880] =	vst v3  }
0x1a6: {  	s0 =	sadd.s32 s31, s9;
	[tilespmem:s1+$0x12800] =	vst v63  }
0x1a7: {  	[hbm4b:s0+s2] =	stream.linear.scatter [tilespmem:s28], [sflag:$0x4], $0x2000, $0x38;
	[tilespmem:$0x14880] =	vst v63  }
0x1a8: {  	s0 =	simm.s32 $0x3  }
0x1a9: {  	_ =	swait.ge [sflag:s0], $0x2000  }
0x1aa: {  	[sflag:s0] =	ssyncset.done $0x0  }
0x1ab: {  	[sflag:s0] =	ssyncadd.s32 $0xFFFFE000  }
0x1ac: {  	_ =	swait.ge [sflag:s4], $0x2000  }
0x1ad: {  	s1 =	rddreg [dreg:$0x6]  }
0x1ae: {  	s31 =	rddreg [dreg:$0x5];
	s1 =	sadd.s32 $0x1, s1  }
0x1af: {  	p0 =	sne.s32 s1, s31  }
.Ltmp4:
0x1b0: {  	_ = 	snop;
	(pc) =	sbr.rel @p0 .LBB2_1-.Ltmp4, $3  }
0x1b1: {  	_ =	sdelay $0x1  }
0x1b2: {  	[sflag:s4] =	ssyncset.done $0x0  }
0x1b3: {  	[sflag:s4] =	ssyncadd.s32 $0xFFFFE000  }
0x1b4: {  	_ =	sfence.sel $0x180000  }
0x1b5: {  	[bflag:$0x0] =	sbarrier.arrive $0xFFFF  }
0x1b6: {  	_ =	strace $0x90000047  }
0x1b7: {  	s0 =	stileid.u32;
	[bflag:$0x2] =	sbarrier.arrive $0xFFFF  }
0x1b8: {  	p0 =	sne.s32 s0, $0x0;
	s0 =	rddreg [dreg:$0x2]  }
0x1b9: {  	s0 =	sadd.s32 @!p0 $0x100000, s0  }
0x1ba: {  	[sflag:s0] =	ssyncadd.tile.s32 @!p0 $0x1;
	_ =	shalt  }
.Lfunc_end2:
_tile_overlayer_lowered:
.L_overlay_start_2:
0x1bb: {  	(tag) =	ssettag $0x2  }
0x1bc: {  	s0 =	rddreg [dreg:$0x0];
	s2 =	stileid.u32  }
0x1bd: {  	s1 =	rddreg [dreg:$0x1];
	p0 =	sne.s32 s2, $0x0  }
0x1be: {  	s3 =	rddreg [dreg:$0x2];
	[bflag:$0x3] =	sbarrier.arrive $0xFFFF;
	s2 =	simm.s32 @!p0 $0x1C05  }
0x1bf: {  	[timem:s3], [sflag:s2] =	dma.local @!p0 [hbm:s0], s1  }
0x1c0: {  	s0 =	simm.s32 @!p0 $0x5  }
0x1c1: {  	_ =	swait.ge @!p0 [sflag:s0], s1  }
0x1c2: {  	s1 =	ssub.s32 @!p0 $0x0, s1;
	[sflag:s0] =	ssyncset.done @!p0 $0x0  }
0x1c3: {  	[sflag:s0] =	ssyncadd.s32 @!p0 s1  }
0x1c4: {  	[bflag:$0x3] =	sbarrier.arrive $0xFFFF  }
0x1c5: {  	_ =	shalt  }

</sc_bundles>
